<compile_context>
chip_gen: v7x
topology: tpu7x:2x2x1
jax: 0.10.2.dev20260603
libtpu: 0.0.44.dev20260713+nightly
codegen_flags: <defaults>
</compile_context>

<pallas_src>
import functools

import jax
import jax.numpy as jnp
from jax import lax
from jax.experimental import pallas as pl
from jax.experimental.pallas import tpu as pltpu
from jax.experimental.pallas import tpu_sc as plsc

NC = 2
NS = 16
B = 64
R = 2


def _matmul_body(x_ref, w_ref, o_ref):
    o_ref[...] = jnp.dot(x_ref[...], w_ref[...],
                         preferred_element_type=jnp.float32)


def _matmul_bias_body(x_ref, w_ref, b_ref, o_ref):
    o_ref[...] = jnp.dot(x_ref[...], w_ref[...],
                         preferred_element_type=jnp.float32) + b_ref[...]


def _tc_matmul(x, w, block_rows):
    m, k = x.shape
    n = w.shape[1]
    return pl.pallas_call(
        _matmul_body,
        grid=(m // block_rows,),
        in_specs=[
            pl.BlockSpec((block_rows, k), lambda i: (i, 0)),
            pl.BlockSpec((k, n), lambda i: (0, 0)),
        ],
        out_specs=pl.BlockSpec((block_rows, n), lambda i: (i, 0)),
        out_shape=jax.ShapeDtypeStruct((m, n), jnp.float32),
    )(x, w)


def _tc_matmul_bias(x, w, b, block_rows):
    m, k = x.shape
    n = w.shape[1]
    return pl.pallas_call(
        _matmul_bias_body,
        grid=(m // block_rows,),
        in_specs=[
            pl.BlockSpec((block_rows, k), lambda i: (i, 0)),
            pl.BlockSpec((k, n), lambda i: (0, 0)),
            pl.BlockSpec((1, n), lambda i: (0, 0)),
        ],
        out_specs=pl.BlockSpec((block_rows, n), lambda i: (i, 0)),
        out_shape=jax.ShapeDtypeStruct((m, n), jnp.float32),
    )(x, w, b)


def _make_sc_edge_kernel(n_pad, d, e_pw, n_blk, rpt):
    mesh = plsc.VectorSubcoreMesh(core_axis_name="c", subcore_axis_name="s")
    assert n_blk % R == 0

    @functools.partial(
        pl.kernel,
        out_type=[
            jax.ShapeDtypeStruct((NC, n_pad, d), jnp.float32),
            jax.ShapeDtypeStruct((NC * n_pad,), jnp.float32),
        ],
        mesh=mesh,
        scratch_types=(
            [pltpu.VMEM((B,), jnp.int32)] * R
            + [pltpu.VMEM((B,), jnp.int32)] * R
            + [pltpu.VMEM((B, d), jnp.float32)] * R
            + [pltpu.VMEM((B, d), jnp.float32)] * R
            + [
                pltpu.VMEM((B,), jnp.float32),
                pltpu.VMEM((-(-rpt // 16) * 16,), jnp.float32),
                pltpu.VMEM_SHARED((n_pad, d), jnp.float32),
                pltpu.VMEM_SHARED((n_pad,), jnp.float32),
            ]
            + [pltpu.SemaphoreType.DMA] * (6 * R)
        ),
    )
    def sc_kernel(xa_hbm, eb_hbm, row_hbm, col_hbm, zd_hbm,
                  h_out, c_out,
                  ir0, ir1, ic0, ic1,
                  gb0, gb1, eb0, eb1,
                  ones, vbuf, hsh, csh,
                  sir0, sir1, sic0, sic1,
                  sg0, sg1, se0, se1,
                  ssh0, ssh1, ssc0, ssc1):
        IR = [ir0, ir1]
        IC = [ic0, ic1]
        GB = [gb0, gb1]
        EB = [eb0, eb1]
        SIR = [sir0, sir1]
        SIC = [sic0, sic1]
        SG = [sg0, sg1]
        SE = [se0, se1]
        SSH = [ssh0, ssh1]
        SSC = [ssc0, ssc1]

        cid = lax.axis_index("c")
        sid = lax.axis_index("s")
        wid = cid * NS + sid
        r0 = sid * rpt
        base0 = wid * e_pw

        pltpu.sync_copy(zd_hbm.at[pl.ds(r0, rpt)], hsh.at[pl.ds(r0, rpt)])

        def fill_ones(i, carry):
            ones[pl.ds(i * 16, 16)] = jnp.full((16,), 1.0, dtype=jnp.float32)
            return carry
        lax.fori_loop(0, B // 16, fill_ones, 0)

        def fill_zero(i, carry):
            vbuf[pl.ds(i * 16, 16)] = jnp.zeros((16,), dtype=jnp.float32)
            return carry
        lax.fori_loop(0, vbuf.shape[0] // 16, fill_zero, 0)
        pltpu.sync_copy(vbuf.at[pl.ds(0, rpt)], csh.at[pl.ds(r0, rpt)])

        plsc.subcore_barrier()

        def issue_loads(j, s):
            base = base0 + j * B
            pltpu.async_copy(row_hbm.at[pl.ds(base, B)], IR[s], SIR[s])
            pltpu.async_copy(col_hbm.at[pl.ds(base, B)], IC[s], SIC[s])
            pltpu.async_copy(eb_hbm.at[pl.ds(base, B)], EB[s], SE[s])

        def start_gather(s):
            pltpu.make_async_copy(
                row_hbm.at[pl.ds(0, B)], IR[s], SIR[s]).wait()
            pltpu.async_copy(xa_hbm.at[IR[s]], GB[s], SG[s])

        def drain_scatters(s):
            pltpu.make_async_copy(GB[s], hsh.at[IC[s]], SSH[s]).wait()
            pltpu.make_async_copy(ones, csh.at[IC[s]], SSC[s]).wait()

        def process(s):
            pltpu.make_async_copy(xa_hbm.at[IR[s]], GB[s], SG[s]).wait()
            pltpu.make_async_copy(
                eb_hbm.at[pl.ds(0, B)], EB[s], SE[s]).wait()

            def edge(i, c2):
                for k in range(d // 16):
                    o = k * 16
                    g = GB[s][i, pl.ds(o, 16)]
                    e = EB[s][i, pl.ds(o, 16)]
                    GB[s][i, pl.ds(o, 16)] = jnp.maximum(g + e, 0.0)
                return c2
            lax.fori_loop(0, B, edge, 0)

            pltpu.make_async_copy(
                col_hbm.at[pl.ds(0, B)], IC[s], SIC[s]).wait()
            pltpu.async_copy(GB[s], hsh.at[IC[s]], SSH[s], add=True)
            pltpu.async_copy(ones, csh.at[IC[s]], SSC[s], add=True)

        for s in range(R - 1):
            issue_loads(s, s)
            start_gather(s)

        def outer(k, carry):
            for p in range(R):
                j = k * R + p
                sn = (p + R - 1) % R
                process(p)

                @pl.when(j + R - 1 < n_blk)
                def _prefetch():
                    @pl.when(j >= 1)
                    def _drain():
                        drain_scatters(sn)
                    issue_loads(j + R - 1, sn)
                    start_gather(sn)
            return carry
        lax.fori_loop(0, n_blk // R, outer, 0)

        for s in range(R):
            drain_scatters(s)

        plsc.subcore_barrier()

        pltpu.sync_copy(hsh.at[pl.ds(r0, rpt)], h_out.at[cid, pl.ds(r0, rpt)])
        pltpu.sync_copy(csh.at[pl.ds(r0, rpt)], vbuf.at[pl.ds(0, rpt)])
        pltpu.sync_copy(vbuf.at[pl.ds(0, rpt)],
                        c_out.at[pl.ds(cid * n_pad + r0, rpt)])

    return sc_kernel


def _final_body(x_ref, h_ref, c0_ref, c1_ref, b_ref, u_ref,
                w2_ref, b2_ref, w3a_ref, w3b_ref, w3c_ref, b3_ref,
                w4_ref, b4_ref, o_ref):
    cnt = (c0_ref[0, 0, :] + c1_ref[0, 0, :])[:, None]
    h = h_ref[0] + h_ref[1]
    hm = h / jnp.maximum(cnt, 1.0)
    gate = jnp.where(cnt > 0.5, 1.0, 0.0)
    mean = (jnp.dot(hm, w2_ref[...], preferred_element_type=jnp.float32)
            + gate * b2_ref[...])
    bvec = b_ref[0, 0, :]
    g = u_ref.shape[0]
    oneh = (bvec[:, None] == lax.broadcasted_iota(jnp.int32, (1, g), 1)
            ).astype(jnp.float32)
    ug = jnp.dot(oneh, u_ref[...], preferred_element_type=jnp.float32)
    z = (jnp.dot(x_ref[...], w3a_ref[...], preferred_element_type=jnp.float32)
         + jnp.dot(mean, w3b_ref[...], preferred_element_type=jnp.float32)
         + jnp.dot(ug, w3c_ref[...], preferred_element_type=jnp.float32)
         + b3_ref[...])
    y = jnp.dot(jnp.maximum(z, 0.0), w4_ref[...],
                preferred_element_type=jnp.float32) + b4_ref[...]
    o_ref[...] = y


def kernel(x, edge_index, edge_attr, u, batch, W1, b1, W2, b2, W3, b3, W4, b4):
    n, d_node = x.shape
    e = edge_index.shape[1]
    d_edge = edge_attr.shape[1]
    g, d_glob = u.shape
    d_out = W2.shape[0]

    nw = NC * NS
    n_blk = -(-(-(-e // (nw * B))) // R) * R
    e_pw = n_blk * B
    e_pad = e_pw * nw
    n_pad = -(-(n + 1) // (NS * 8)) * (NS * 8)
    rpt = n_pad // NS

    row = edge_index[0].astype(jnp.int32)
    col = edge_index[1].astype(jnp.int32)
    pad = e_pad - e
    row_p = jnp.concatenate([row, jnp.zeros((pad,), jnp.int32)])
    col_p = jnp.concatenate([col, jnp.full((pad,), n, jnp.int32)])
    ea_p = jnp.concatenate(
        [edge_attr, jnp.zeros((pad, d_edge), jnp.float32)])

    W1a = W1[:d_node]
    W1b = W1[d_node:]
    W3a = W3[:d_node]
    W3b = W3[d_node:d_node + d_out]
    W3c = W3[d_node + d_out:]
    zd = jnp.zeros((n_pad, d_out), jnp.float32)

    xa = _tc_matmul(x, W1a, 1000)
    eb = _tc_matmul_bias(ea_p, W1b, b1.reshape(1, -1), 512)

    sc_fn = _make_sc_edge_kernel(n_pad, d_out, e_pw, n_blk, rpt)
    h_parts, c_parts = sc_fn(xa, eb, row_p, col_p, zd)

    nb = n // 1000
    c0 = c_parts[:n].reshape(nb, 1, n // nb)
    c1 = c_parts[n_pad:n_pad + n].reshape(nb, 1, n // nb)
    batch3 = batch.astype(jnp.int32).reshape(nb, 1, n // nb)

    br = 1000
    y = pl.pallas_call(
        _final_body,
        grid=(nb,),
        in_specs=[
            pl.BlockSpec((br, d_node), lambda i: (i, 0)),
            pl.BlockSpec((NC, br, d_out), lambda i: (0, i, 0)),
            pl.BlockSpec((1, 1, br), lambda i: (i, 0, 0)),
            pl.BlockSpec((1, 1, br), lambda i: (i, 0, 0)),
            pl.BlockSpec((1, 1, br), lambda i: (i, 0, 0)),
            pl.BlockSpec((g, d_glob), lambda i: (0, 0)),
            pl.BlockSpec((d_out, d_out), lambda i: (0, 0)),
            pl.BlockSpec((1, d_out), lambda i: (0, 0)),
            pl.BlockSpec((d_node, d_out), lambda i: (0, 0)),
            pl.BlockSpec((d_out, d_out), lambda i: (0, 0)),
            pl.BlockSpec((d_glob, d_out), lambda i: (0, 0)),
            pl.BlockSpec((1, d_out), lambda i: (0, 0)),
            pl.BlockSpec((d_out, d_out), lambda i: (0, 0)),
            pl.BlockSpec((1, d_out), lambda i: (0, 0)),
        ],
        out_specs=pl.BlockSpec((br, d_out), lambda i: (i, 0)),
        out_shape=jax.ShapeDtypeStruct((n, d_out), jnp.float32),
    )(x, h_parts, c0, c1, batch3, u, W2, b2.reshape(1, -1),
      W3a, W3b, W3c, b3.reshape(1, -1), W4, b4.reshape(1, -1))
    return y

# --- scband reference (transcript-rebuilt; emitter-appended) ---
"""Pipeline reference for scband-node-model-24773371363898 (READ-ONLY COPY).

The authoritative reference and input builder live on the scoring server;
editing this copy changes nothing except your own understanding.
"""

import jax, jax.numpy as jnp
import numpy as np


def setup_inputs(seed: int = 0) -> dict:
    key = jax.random.key(seed)
    ks = jax.random.split(key, 16)
    N, E, d_node, d_edge, d_glob, d_out, G = 10000, 320000, 128, 16, 64, 128, 8
    x = jax.random.normal(ks[0], (N, d_node), dtype=jnp.float32)
    edge_index = jax.random.randint(ks[1], (2, E), 0, N)
    edge_attr = jax.random.normal(ks[2], (E, d_edge), dtype=jnp.float32)
    u = jax.random.normal(ks[3], (G, d_glob), dtype=jnp.float32)
    batch = jnp.sort(jax.random.randint(ks[4], (N,), 0, G))
    f1 = d_node + d_edge
    f2 = d_glob + d_node + d_out
    W1 = jax.random.normal(ks[5], (f1, d_out), dtype=jnp.float32) / np.sqrt(f1)
    b1 = jnp.zeros((d_out,), dtype=jnp.float32)
    W2 = jax.random.normal(ks[6], (d_out, d_out), dtype=jnp.float32) / np.sqrt(d_out)
    b2 = jnp.zeros((d_out,), dtype=jnp.float32)
    W3 = jax.random.normal(ks[7], (f2, d_out), dtype=jnp.float32) / np.sqrt(f2)
    b3 = jnp.zeros((d_out,), dtype=jnp.float32)
    W4 = jax.random.normal(ks[8], (d_out, d_out), dtype=jnp.float32) / np.sqrt(d_out)
    b4 = jnp.zeros((d_out,), dtype=jnp.float32)
    return {"x": x, "edge_index": edge_index, "edge_attr": edge_attr, "u": u, "batch": batch,
            "W1": W1, "b1": b1, "W2": W2, "b2": b2, "W3": W3, "b3": b3, "W4": W4, "b4": b4}


def reference(x, edge_index, edge_attr, u, batch, W1, b1, W2, b2, W3, b3, W4, b4):
    row = edge_index[0]
    col = edge_index[1]
    N = x.shape[0]
    # node_mlp_1 over edges: cat([x[row], edge_attr]) -> Linear -> ReLU -> Linear
    out = jnp.concatenate([jnp.take(x, row, axis=0), edge_attr], axis=1)
    out = jnp.maximum(out @ W1 + b1, 0.0) @ W2 + b2
    # scatter_mean over destination nodes (col), dim_size=N
    sums = jax.ops.segment_sum(out, col, num_segments=N)
    cnt = jax.ops.segment_sum(jnp.ones((out.shape[0],), dtype=out.dtype), col, num_segments=N)
    mean = sums / jnp.maximum(cnt, 1.0)[:, None]
    # node_mlp_2: cat([x, mean, u[batch]]) -> Linear -> ReLU -> Linear
    h = jnp.concatenate([x, mean, jnp.take(u, batch, axis=0)], axis=1)
    return jnp.maximum(h @ W3 + b3, 0.0) @ W4 + b4

if __name__ == "__main__":
    import jax
    _d = setup_inputs()
    print(jax.jit(kernel)(*tuple(_d.values())))

</pallas_src>

<mosaic_0001>
#map = affine_map<(d0, d1) -> (0, 0)>
#map1 = affine_map<(d0, d1) -> (0)>
#map2 = affine_map<(d0, d1) -> (0, 0, 0)>
module attributes {stable_mosaic.version = 14 : i64} {
  func.func @sc_kernel(%arg0: i32, %arg1: i32, %arg2: memref<10000x128xf32, #tpu.memory_space<hbm>>, %arg3: memref<323584x128xf32, #tpu.memory_space<hbm>>, %arg4: memref<323584xi32, #tpu.memory_space<hbm>>, %arg5: memref<323584xi32, #tpu.memory_space<hbm>>, %arg6: memref<10112x128xf32, #tpu.memory_space<hbm>>, %arg7: memref<2x10112x128xf32, #tpu.memory_space<hbm>>, %arg8: memref<20224xf32, #tpu.memory_space<hbm>>, %arg9: memref<64xi32, #tpu.memory_space<vmem>>, %arg10: memref<64xi32, #tpu.memory_space<vmem>>, %arg11: memref<64xi32, #tpu.memory_space<vmem>>, %arg12: memref<64xi32, #tpu.memory_space<vmem>>, %arg13: memref<64x128xf32, #tpu.memory_space<vmem>>, %arg14: memref<64x128xf32, #tpu.memory_space<vmem>>, %arg15: memref<64x128xf32, #tpu.memory_space<vmem>>, %arg16: memref<64x128xf32, #tpu.memory_space<vmem>>, %arg17: memref<64xf32, #tpu.memory_space<vmem>>, %arg18: memref<640xf32, #tpu.memory_space<vmem>>, %arg19: memref<10112x128xf32, #tpu.memory_space<vmem_shared>>, %arg20: memref<10112xf32, #tpu.memory_space<vmem_shared>>, %arg21: memref<!tpu.dma_semaphore, #tpu.memory_space<semaphore_mem>>, %arg22: memref<!tpu.dma_semaphore, #tpu.memory_space<semaphore_mem>>, %arg23: memref<!tpu.dma_semaphore, #tpu.memory_space<semaphore_mem>>, %arg24: memref<!tpu.dma_semaphore, #tpu.memory_space<semaphore_mem>>, %arg25: memref<!tpu.dma_semaphore, #tpu.memory_space<semaphore_mem>>, %arg26: memref<!tpu.dma_semaphore, #tpu.memory_space<semaphore_mem>>, %arg27: memref<!tpu.dma_semaphore, #tpu.memory_space<semaphore_mem>>, %arg28: memref<!tpu.dma_semaphore, #tpu.memory_space<semaphore_mem>>, %arg29: memref<!tpu.dma_semaphore, #tpu.memory_space<semaphore_mem>>, %arg30: memref<!tpu.dma_semaphore, #tpu.memory_space<semaphore_mem>>, %arg31: memref<!tpu.dma_semaphore, #tpu.memory_space<semaphore_mem>>, %arg32: memref<!tpu.dma_semaphore, #tpu.memory_space<semaphore_mem>>) attributes {dimension_semantics = [#tpu.dimension_semantics<core_parallel>, #tpu.dimension_semantics<subcore_parallel>], iteration_bounds = array<i64: 2, 16>, scalar_prefetch = 0 : i64, scratch_operands = 24 : i64, tpu.core_type = #tpu.core_type<sc_vector_subcore>, window_params = [{transform_indices = #map}, {transform_indices = #map}, {transform_indices = #map1}, {transform_indices = #map1}, {transform_indices = #map}, {transform_indices = #map2}, {transform_indices = #map1}]} {
    %mul3A = arith.constant 16 : i32
    %mul3A_0 = arith.muli %arg0, %mul3A : i32
    %add3A = arith.addi %mul3A_0, %arg1 : i32
    %mul3A_1 = arith.constant 632 : i32
    %mul3A_2 = arith.muli %arg1, %mul3A_1 : i32
    %mul3A_3 = arith.constant 10112 : i32
    %mul3A_4 = arith.muli %add3A, %mul3A_3 : i32
    "tpu.region"() ({
      %run_scoped3A = tpu.sem_alloc : memref<!tpu.dma_semaphore, #tpu.memory_space<semaphore_mem>>
      %dma_start3A_51 = arith.constant 0 : i32
      %dma_start3A_52 = tpu.memref_slice %arg19[%mul3A_2, %dma_start3A_51] : memref<10112x128xf32, #tpu.memory_space<vmem_shared>> -> memref<632x128xf32, #tpu.memory_space<vmem_shared>>
      %dma_start3A_53 = arith.constant 0 : i32
      %dma_start3A_54 = tpu.memref_slice %arg6[%mul3A_2, %dma_start3A_53] : memref<10112x128xf32, #tpu.memory_space<hbm>> -> memref<632x128xf32, #tpu.memory_space<hbm>>
      tpu.enqueue_dma source(%dma_start3A_54 : memref<632x128xf32, #tpu.memory_space<hbm>>) target(%dma_start3A_52 : memref<632x128xf32, #tpu.memory_space<vmem_shared>>) target_semaphore(%run_scoped3A : memref<!tpu.dma_semaphore, #tpu.memory_space<semaphore_mem>>)
      %dma_wait3A_55 = arith.constant 0 : i32
      %dma_wait3A_56 = tpu.memref_slice %arg19[%mul3A_2, %dma_wait3A_55] : memref<10112x128xf32, #tpu.memory_space<vmem_shared>> -> memref<632x128xf32, #tpu.memory_space<vmem_shared>>
      %dma_wait3A_57 = arith.constant 0 : i32
      %dma_wait3A_58 = tpu.memref_slice %arg6[%mul3A_2, %dma_wait3A_57] : memref<10112x128xf32, #tpu.memory_space<hbm>> -> memref<632x128xf32, #tpu.memory_space<hbm>>
      tpu.wait_dma2 semaphore(%run_scoped3A : memref<!tpu.dma_semaphore, #tpu.memory_space<semaphore_mem>>) src(%dma_wait3A_58 : memref<632x128xf32, #tpu.memory_space<hbm>>) dst(%dma_wait3A_56 : memref<632x128xf32, #tpu.memory_space<vmem_shared>>)
      tpu.yield
    }) : () -> ()
    %scan3A = arith.constant 0 : i32
    %scan3A_5 = arith.constant 0 : i32
    %scan3A_6 = arith.constant 4 : i32
    %scan3A_7 = arith.addi %scan3A_5, %scan3A_6 : i32
    %scan3A_8 = arith.constant 1 : i32
    scf.for %scan3A_51 = %scan3A_5 to %scan3A_7 step %scan3A_8  : i32 {
      %broadcast_in_dim3A = arith.constant 1.000000e+00 : f32
      %broadcast_in_dim3A_52 = vector.broadcast %broadcast_in_dim3A : f32 to vector<16xf32>
      %mul3A_53 = arith.constant 16 : i32
      %mul3A_54 = arith.muli %scan3A_51, %mul3A_53 : i32
      %swap3A = arith.index_cast %mul3A_54 : i32 to index
      %swap3A_55 = tpu.vector_load %arg17[%swap3A] {strides = array<i32>} : memref<64xf32, #tpu.memory_space<vmem>>, vector<16xf32>,
      %swap3A_56 = vector.shape_cast %swap3A_55 : vector<16xf32> to vector<16xf32>
      %swap3A_57 = vector.shape_cast %broadcast_in_dim3A_52 : vector<16xf32> to vector<16xf32>
      tpu.vector_store %arg17[%swap3A], %swap3A_57 {strides = array<i32>} : memref<64xf32, #tpu.memory_space<vmem>>, vector<16xf32>,
    }
    %scan3A_9 = arith.constant 4 : i32
    %scan3A_10 = arith.constant 0 : i32
    %scan3A_11 = arith.constant 0 : i32
    %scan3A_12 = arith.constant 40 : i32
    %scan3A_13 = arith.addi %scan3A_11, %scan3A_12 : i32
    %scan3A_14 = arith.constant 1 : i32
    scf.for %scan3A_51 = %scan3A_11 to %scan3A_13 step %scan3A_14  : i32 {
      %broadcast_in_dim3A = arith.constant 0.000000e+00 : f32
      %broadcast_in_dim3A_52 = vector.broadcast %broadcast_in_dim3A : f32 to vector<16xf32>
      %mul3A_53 = arith.constant 16 : i32
      %mul3A_54 = arith.muli %scan3A_51, %mul3A_53 : i32
      %swap3A = arith.index_cast %mul3A_54 : i32 to index
      %swap3A_55 = tpu.vector_load %arg18[%swap3A] {strides = array<i32>} : memref<640xf32, #tpu.memory_space<vmem>>, vector<16xf32>,
      %swap3A_56 = vector.shape_cast %swap3A_55 : vector<16xf32> to vector<16xf32>
      %swap3A_57 = vector.shape_cast %broadcast_in_dim3A_52 : vector<16xf32> to vector<16xf32>
      tpu.vector_store %arg18[%swap3A], %swap3A_57 {strides = array<i32>} : memref<640xf32, #tpu.memory_space<vmem>>, vector<16xf32>,
    }
    %scan3A_15 = arith.constant 40 : i32
    "tpu.region"() ({
      %run_scoped3A = tpu.sem_alloc : memref<!tpu.dma_semaphore, #tpu.memory_space<semaphore_mem>>
      %dma_start3A_51 = arith.constant 0 : i32
      %dma_start3A_52 = tpu.memref_slice %arg18[%dma_start3A_51] : memref<640xf32, #tpu.memory_space<vmem>> -> memref<632xf32, #tpu.memory_space<vmem>>
      %dma_start3A_53 = tpu.memref_slice %arg20[%mul3A_2] : memref<10112xf32, #tpu.memory_space<vmem_shared>> -> memref<632xf32, #tpu.memory_space<vmem_shared>>
      %dma_start3A_54 = tpu.memref_slice %arg20[%mul3A_2] : memref<10112xf32, #tpu.memory_space<vmem_shared>> -> memref<632xf32, #tpu.memory_space<vmem_shared>>
      %dma_start3A_55 = arith.constant 0 : i32
      %dma_start3A_56 = tpu.memref_slice %arg18[%dma_start3A_55] : memref<640xf32, #tpu.memory_space<vmem>> -> memref<632xf32, #tpu.memory_space<vmem>>
      tpu.enqueue_dma source(%dma_start3A_56 : memref<632xf32, #tpu.memory_space<vmem>>) target(%dma_start3A_54 : memref<632xf32, #tpu.memory_space<vmem_shared>>) target_semaphore(%run_scoped3A : memref<!tpu.dma_semaphore, #tpu.memory_space<semaphore_mem>>)
      %dma_wait3A_57 = arith.constant 0 : i32
      %dma_wait3A_58 = tpu.memref_slice %arg18[%dma_wait3A_57] : memref<640xf32, #tpu.memory_space<vmem>> -> memref<632xf32, #tpu.memory_space<vmem>>
      %dma_wait3A_59 = tpu.memref_slice %arg20[%mul3A_2] : memref<10112xf32, #tpu.memory_space<vmem_shared>> -> memref<632xf32, #tpu.memory_space<vmem_shared>>
      %dma_wait3A_60 = tpu.memref_slice %arg20[%mul3A_2] : memref<10112xf32, #tpu.memory_space<vmem_shared>> -> memref<632xf32, #tpu.memory_space<vmem_shared>>
      %dma_wait3A_61 = arith.constant 0 : i32
      %dma_wait3A_62 = tpu.memref_slice %arg18[%dma_wait3A_61] : memref<640xf32, #tpu.memory_space<vmem>> -> memref<632xf32, #tpu.memory_space<vmem>>
      tpu.wait_dma2 semaphore(%run_scoped3A : memref<!tpu.dma_semaphore, #tpu.memory_space<semaphore_mem>>) src(%dma_wait3A_62 : memref<632xf32, #tpu.memory_space<vmem>>) dst(%dma_wait3A_60 : memref<632xf32, #tpu.memory_space<vmem_shared>>)
      tpu.yield
    }) : () -> ()
    %barrier3A = arith.constant 0 : index
    tpu.barrier barrier_id(%barrier3A)
    %add3A_16 = arith.constant 0 : i32
    %add3A_17 = arith.addi %mul3A_4, %add3A_16 : i32
    %dma_start3A = tpu.memref_slice %arg4[%add3A_17] : memref<323584xi32, #tpu.memory_space<hbm>> -> memref<64xi32, #tpu.memory_space<hbm>>
    %dma_start3A_18 = tpu.memref_slice %arg4[%add3A_17] : memref<323584xi32, #tpu.memory_space<hbm>> -> memref<64xi32, #tpu.memory_space<hbm>>
    tpu.enqueue_dma source(%dma_start3A_18 : memref<64xi32, #tpu.memory_space<hbm>>) target(%arg9 : memref<64xi32, #tpu.memory_space<vmem>>) target_semaphore(%arg21 : memref<!tpu.dma_semaphore, #tpu.memory_space<semaphore_mem>>)
    %dma_start3A_19 = tpu.memref_slice %arg5[%add3A_17] : memref<323584xi32, #tpu.memory_space<hbm>> -> memref<64xi32, #tpu.memory_space<hbm>>
    %dma_start3A_20 = tpu.memref_slice %arg5[%add3A_17] : memref<323584xi32, #tpu.memory_space<hbm>> -> memref<64xi32, #tpu.memory_space<hbm>>
    tpu.enqueue_dma source(%dma_start3A_20 : memref<64xi32, #tpu.memory_space<hbm>>) target(%arg11 : memref<64xi32, #tpu.memory_space<vmem>>) target_semaphore(%arg23 : memref<!tpu.dma_semaphore, #tpu.memory_space<semaphore_mem>>)
    %dma_start3A_21 = arith.constant 0 : i32
    %dma_start3A_22 = tpu.memref_slice %arg3[%add3A_17, %dma_start3A_21] : memref<323584x128xf32, #tpu.memory_space<hbm>> -> memref<64x128xf32, #tpu.memory_space<hbm>>
    %dma_start3A_23 = arith.constant 0 : i32
    %dma_start3A_24 = tpu.memref_slice %arg3[%add3A_17, %dma_start3A_23] : memref<323584x128xf32, #tpu.memory_space<hbm>> -> memref<64x128xf32, #tpu.memory_space<hbm>>
    tpu.enqueue_dma source(%dma_start3A_24 : memref<64x128xf32, #tpu.memory_space<hbm>>) target(%arg15 : memref<64x128xf32, #tpu.memory_space<vmem>>) target_semaphore(%arg27 : memref<!tpu.dma_semaphore, #tpu.memory_space<semaphore_mem>>)
    %dma_wait3A = arith.constant 0 : i32
    %dma_wait3A_25 = tpu.memref_slice %arg4[%dma_wait3A] : memref<323584xi32, #tpu.memory_space<hbm>> -> memref<64xi32, #tpu.memory_space<hbm>>
    %dma_wait3A_26 = arith.constant 0 : i32
    %dma_wait3A_27 = tpu.memref_slice %arg4[%dma_wait3A_26] : memref<323584xi32, #tpu.memory_space<hbm>> -> memref<64xi32, #tpu.memory_space<hbm>>
    tpu.wait_dma2 semaphore(%arg21 : memref<!tpu.dma_semaphore, #tpu.memory_space<semaphore_mem>>) src(%dma_wait3A_27 : memref<64xi32, #tpu.memory_space<hbm>>) dst(%arg9 : memref<64xi32, #tpu.memory_space<vmem>>)
    %dma_start3A_28 = arith.constant 0 : i32
    %dma_start3A_29 = arith.constant 0 : i32
    %dma_start3A_30 = tpu.memref_slice %arg2[%dma_start3A_28, %dma_start3A_29] : memref<10000x128xf32, #tpu.memory_space<hbm>> -> memref<10000x128xf32, #tpu.memory_space<hbm>>
    tpu.enqueue_indirect_dma source(%dma_start3A_30 : memref<10000x128xf32, #tpu.memory_space<hbm>>) target(%arg13 : memref<64x128xf32, #tpu.memory_space<vmem>>) offsets(%arg9 : memref<64xi32, #tpu.memory_space<vmem>>) semaphore(%arg25 : memref<!tpu.dma_semaphore, #tpu.memory_space<semaphore_mem>>)
    %scan3A_31 = arith.constant 0 : i32
    %scan3A_32 = arith.constant 0 : i32
    %scan3A_33 = arith.constant 79 : i32
    %scan3A_34 = arith.addi %scan3A_32, %scan3A_33 : i32
    %scan3A_35 = arith.constant 1 : i32
    scf.for %scan3A_51 = %scan3A_32 to %scan3A_34 step %scan3A_35  : i32 {
      %mul3A_52 = arith.constant 2 : i32
      %mul3A_53 = arith.muli %scan3A_51, %mul3A_52 : i32
      %add3A_54 = arith.constant 0 : i32
      %add3A_55 = arith.addi %mul3A_53, %add3A_54 : i32
      %dma_wait3A_56 = arith.constant 0 : i32
      %dma_wait3A_57 = arith.constant 0 : i32
      %dma_wait3A_58 = tpu.memref_slice %arg2[%dma_wait3A_56, %dma_wait3A_57] : memref<10000x128xf32, #tpu.memory_space<hbm>> -> memref<10000x128xf32, #tpu.memory_space<hbm>>
      tpu.wait_indirect_dma semaphore(%arg25 : memref<!tpu.dma_semaphore, #tpu.memory_space<semaphore_mem>>) src(%dma_wait3A_58 : memref<10000x128xf32, #tpu.memory_space<hbm>>) dst(%arg13 : memref<64x128xf32, #tpu.memory_space<vmem>>)
      %dma_wait3A_59 = arith.constant 0 : i32
      %dma_wait3A_60 = arith.constant 0 : i32
      %dma_wait3A_61 = tpu.memref_slice %arg3[%dma_wait3A_59, %dma_wait3A_60] : memref<323584x128xf32, #tpu.memory_space<hbm>> -> memref<64x128xf32, #tpu.memory_space<hbm>>
      %dma_wait3A_62 = arith.constant 0 : i32
      %dma_wait3A_63 = arith.constant 0 : i32
      %dma_wait3A_64 = tpu.memref_slice %arg3[%dma_wait3A_62, %dma_wait3A_63] : memref<323584x128xf32, #tpu.memory_space<hbm>> -> memref<64x128xf32, #tpu.memory_space<hbm>>
      tpu.wait_dma2 semaphore(%arg27 : memref<!tpu.dma_semaphore, #tpu.memory_space<semaphore_mem>>) src(%dma_wait3A_64 : memref<64x128xf32, #tpu.memory_space<hbm>>) dst(%arg15 : memref<64x128xf32, #tpu.memory_space<vmem>>)
      %scan3A_65 = arith.constant 0 : i32
      %scan3A_66 = arith.constant 0 : i32
      %scan3A_67 = arith.constant 64 : i32
      %scan3A_68 = arith.addi %scan3A_66, %scan3A_67 : i32
      %scan3A_69 = arith.constant 1 : i32
      scf.for %scan3A_122 = %scan3A_66 to %scan3A_68 step %scan3A_69  : i32 {
        %get3A = arith.index_cast %scan3A_122 : i32 to index
        %get3A_123 = arith.constant 0 : index
        %get3A_124 = tpu.vector_load %arg13[%get3A, %get3A_123] {strides = array<i32>} : memref<64x128xf32, #tpu.memory_space<vmem>>, vector<1x16xf32>,
        %get3A_125 = vector.shape_cast %get3A_124 : vector<1x16xf32> to vector<16xf32>
        %get3A_126 = arith.index_cast %scan3A_122 : i32 to index
        %get3A_127 = arith.constant 0 : index
        %get3A_128 = tpu.vector_load %arg15[%get3A_126, %get3A_127] {strides = array<i32>} : memref<64x128xf32, #tpu.memory_space<vmem>>, vector<1x16xf32>,
        %get3A_129 = vector.shape_cast %get3A_128 : vector<1x16xf32> to vector<16xf32>
        %add3A_130 = arith.addf %get3A_125, %get3A_129 : vector<16xf32>
        %max3A = arith.constant 0.000000e+00 : f32
        %max3A_131 = vector.broadcast %max3A : f32 to vector<16xf32>
        %max3A_132 = arith.maximumf %add3A_130, %max3A_131 : vector<16xf32>
        %swap3A = arith.index_cast %scan3A_122 : i32 to index
        %swap3A_133 = arith.constant 0 : index
        %swap3A_134 = tpu.vector_load %arg13[%swap3A, %swap3A_133] {strides = array<i32>} : memref<64x128xf32, #tpu.memory_space<vmem>>, vector<1x16xf32>,
        %swap3A_135 = vector.shape_cast %swap3A_134 : vector<1x16xf32> to vector<16xf32>
        %swap3A_136 = vector.shape_cast %max3A_132 : vector<16xf32> to vector<1x16xf32>
        tpu.vector_store %arg13[%swap3A, %swap3A_133], %swap3A_136 {strides = array<i32>} : memref<64x128xf32, #tpu.memory_space<vmem>>, vector<1x16xf32>,
        %get3A_137 = arith.index_cast %scan3A_122 : i32 to index
        %get3A_138 = arith.constant 16 : index
        %get3A_139 = tpu.vector_load %arg13[%get3A_137, %get3A_138] {strides = array<i32>} : memref<64x128xf32, #tpu.memory_space<vmem>>, vector<1x16xf32>,
        %get3A_140 = vector.shape_cast %get3A_139 : vector<1x16xf32> to vector<16xf32>
        %get3A_141 = arith.index_cast %scan3A_122 : i32 to index
        %get3A_142 = arith.constant 16 : index
        %get3A_143 = tpu.vector_load %arg15[%get3A_141, %get3A_142] {strides = array<i32>} : memref<64x128xf32, #tpu.memory_space<vmem>>, vector<1x16xf32>,
        %get3A_144 = vector.shape_cast %get3A_143 : vector<1x16xf32> to vector<16xf32>
        %add3A_145 = arith.addf %get3A_140, %get3A_144 : vector<16xf32>
        %max3A_146 = arith.constant 0.000000e+00 : f32
        %max3A_147 = vector.broadcast %max3A_146 : f32 to vector<16xf32>
        %max3A_148 = arith.maximumf %add3A_145, %max3A_147 : vector<16xf32>
        %swap3A_149 = arith.index_cast %scan3A_122 : i32 to index
        %swap3A_150 = arith.constant 16 : index
        %swap3A_151 = tpu.vector_load %arg13[%swap3A_149, %swap3A_150] {strides = array<i32>} : memref<64x128xf32, #tpu.memory_space<vmem>>, vector<1x16xf32>,
        %swap3A_152 = vector.shape_cast %swap3A_151 : vector<1x16xf32> to vector<16xf32>
        %swap3A_153 = vector.shape_cast %max3A_148 : vector<16xf32> to vector<1x16xf32>
        tpu.vector_store %arg13[%swap3A_149, %swap3A_150], %swap3A_153 {strides = array<i32>} : memref<64x128xf32, #tpu.memory_space<vmem>>, vector<1x16xf32>,
        %get3A_154 = arith.index_cast %scan3A_122 : i32 to index
        %get3A_155 = arith.constant 32 : index
        %get3A_156 = tpu.vector_load %arg13[%get3A_154, %get3A_155] {strides = array<i32>} : memref<64x128xf32, #tpu.memory_space<vmem>>, vector<1x16xf32>,
        %get3A_157 = vector.shape_cast %get3A_156 : vector<1x16xf32> to vector<16xf32>
        %get3A_158 = arith.index_cast %scan3A_122 : i32 to index
        %get3A_159 = arith.constant 32 : index
        %get3A_160 = tpu.vector_load %arg15[%get3A_158, %get3A_159] {strides = array<i32>} : memref<64x128xf32, #tpu.memory_space<vmem>>, vector<1x16xf32>,
        %get3A_161 = vector.shape_cast %get3A_160 : vector<1x16xf32> to vector<16xf32>
        %add3A_162 = arith.addf %get3A_157, %get3A_161 : vector<16xf32>
        %max3A_163 = arith.constant 0.000000e+00 : f32
        %max3A_164 = vector.broadcast %max3A_163 : f32 to vector<16xf32>
        %max3A_165 = arith.maximumf %add3A_162, %max3A_164 : vector<16xf32>
        %swap3A_166 = arith.index_cast %scan3A_122 : i32 to index
        %swap3A_167 = arith.constant 32 : index
        %swap3A_168 = tpu.vector_load %arg13[%swap3A_166, %swap3A_167] {strides = array<i32>} : memref<64x128xf32, #tpu.memory_space<vmem>>, vector<1x16xf32>,
        %swap3A_169 = vector.shape_cast %swap3A_168 : vector<1x16xf32> to vector<16xf32>
        %swap3A_170 = vector.shape_cast %max3A_165 : vector<16xf32> to vector<1x16xf32>
        tpu.vector_store %arg13[%swap3A_166, %swap3A_167], %swap3A_170 {strides = array<i32>} : memref<64x128xf32, #tpu.memory_space<vmem>>, vector<1x16xf32>,
        %get3A_171 = arith.index_cast %scan3A_122 : i32 to index
        %get3A_172 = arith.constant 48 : index
        %get3A_173 = tpu.vector_load %arg13[%get3A_171, %get3A_172] {strides = array<i32>} : memref<64x128xf32, #tpu.memory_space<vmem>>, vector<1x16xf32>,
        %get3A_174 = vector.shape_cast %get3A_173 : vector<1x16xf32> to vector<16xf32>
        %get3A_175 = arith.index_cast %scan3A_122 : i32 to index
        %get3A_176 = arith.constant 48 : index
        %get3A_177 = tpu.vector_load %arg15[%get3A_175, %get3A_176] {strides = array<i32>} : memref<64x128xf32, #tpu.memory_space<vmem>>, vector<1x16xf32>,
        %get3A_178 = vector.shape_cast %get3A_177 : vector<1x16xf32> to vector<16xf32>
        %add3A_179 = arith.addf %get3A_174, %get3A_178 : vector<16xf32>
        %max3A_180 = arith.constant 0.000000e+00 : f32
        %max3A_181 = vector.broadcast %max3A_180 : f32 to vector<16xf32>
        %max3A_182 = arith.maximumf %add3A_179, %max3A_181 : vector<16xf32>
        %swap3A_183 = arith.index_cast %scan3A_122 : i32 to index
        %swap3A_184 = arith.constant 48 : index
        %swap3A_185 = tpu.vector_load %arg13[%swap3A_183, %swap3A_184] {strides = array<i32>} : memref<64x128xf32, #tpu.memory_space<vmem>>, vector<1x16xf32>,
        %swap3A_186 = vector.shape_cast %swap3A_185 : vector<1x16xf32> to vector<16xf32>
        %swap3A_187 = vector.shape_cast %max3A_182 : vector<16xf32> to vector<1x16xf32>
        tpu.vector_store %arg13[%swap3A_183, %swap3A_184], %swap3A_187 {strides = array<i32>} : memref<64x128xf32, #tpu.memory_space<vmem>>, vector<1x16xf32>,
        %get3A_188 = arith.index_cast %scan3A_122 : i32 to index
        %get3A_189 = arith.constant 64 : index
        %get3A_190 = tpu.vector_load %arg13[%get3A_188, %get3A_189] {strides = array<i32>} : memref<64x128xf32, #tpu.memory_space<vmem>>, vector<1x16xf32>,
        %get3A_191 = vector.shape_cast %get3A_190 : vector<1x16xf32> to vector<16xf32>
        %get3A_192 = arith.index_cast %scan3A_122 : i32 to index
        %get3A_193 = arith.constant 64 : index
        %get3A_194 = tpu.vector_load %arg15[%get3A_192, %get3A_193] {strides = array<i32>} : memref<64x128xf32, #tpu.memory_space<vmem>>, vector<1x16xf32>,
        %get3A_195 = vector.shape_cast %get3A_194 : vector<1x16xf32> to vector<16xf32>
        %add3A_196 = arith.addf %get3A_191, %get3A_195 : vector<16xf32>
        %max3A_197 = arith.constant 0.000000e+00 : f32
        %max3A_198 = vector.broadcast %max3A_197 : f32 to vector<16xf32>
        %max3A_199 = arith.maximumf %add3A_196, %max3A_198 : vector<16xf32>
        %swap3A_200 = arith.index_cast %scan3A_122 : i32 to index
        %swap3A_201 = arith.constant 64 : index
        %swap3A_202 = tpu.vector_load %arg13[%swap3A_200, %swap3A_201] {strides = array<i32>} : memref<64x128xf32, #tpu.memory_space<vmem>>, vector<1x16xf32>,
        %swap3A_203 = vector.shape_cast %swap3A_202 : vector<1x16xf32> to vector<16xf32>
        %swap3A_204 = vector.shape_cast %max3A_199 : vector<16xf32> to vector<1x16xf32>
        tpu.vector_store %arg13[%swap3A_200, %swap3A_201], %swap3A_204 {strides = array<i32>} : memref<64x128xf32, #tpu.memory_space<vmem>>, vector<1x16xf32>,
        %get3A_205 = arith.index_cast %scan3A_122 : i32 to index
        %get3A_206 = arith.constant 80 : index
        %get3A_207 = tpu.vector_load %arg13[%get3A_205, %get3A_206] {strides = array<i32>} : memref<64x128xf32, #tpu.memory_space<vmem>>, vector<1x16xf32>,
        %get3A_208 = vector.shape_cast %get3A_207 : vector<1x16xf32> to vector<16xf32>
        %get3A_209 = arith.index_cast %scan3A_122 : i32 to index
        %get3A_210 = arith.constant 80 : index
        %get3A_211 = tpu.vector_load %arg15[%get3A_209, %get3A_210] {strides = array<i32>} : memref<64x128xf32, #tpu.memory_space<vmem>>, vector<1x16xf32>,
        %get3A_212 = vector.shape_cast %get3A_211 : vector<1x16xf32> to vector<16xf32>
        %add3A_213 = arith.addf %get3A_208, %get3A_212 : vector<16xf32>
        %max3A_214 = arith.constant 0.000000e+00 : f32
        %max3A_215 = vector.broadcast %max3A_214 : f32 to vector<16xf32>
        %max3A_216 = arith.maximumf %add3A_213, %max3A_215 : vector<16xf32>
        %swap3A_217 = arith.index_cast %scan3A_122 : i32 to index
        %swap3A_218 = arith.constant 80 : index
        %swap3A_219 = tpu.vector_load %arg13[%swap3A_217, %swap3A_218] {strides = array<i32>} : memref<64x128xf32, #tpu.memory_space<vmem>>, vector<1x16xf32>,
        %swap3A_220 = vector.shape_cast %swap3A_219 : vector<1x16xf32> to vector<16xf32>
        %swap3A_221 = vector.shape_cast %max3A_216 : vector<16xf32> to vector<1x16xf32>
        tpu.vector_store %arg13[%swap3A_217, %swap3A_218], %swap3A_221 {strides = array<i32>} : memref<64x128xf32, #tpu.memory_space<vmem>>, vector<1x16xf32>,
        %get3A_222 = arith.index_cast %scan3A_122 : i32 to index
        %get3A_223 = arith.constant 96 : index
        %get3A_224 = tpu.vector_load %arg13[%get3A_222, %get3A_223] {strides = array<i32>} : memref<64x128xf32, #tpu.memory_space<vmem>>, vector<1x16xf32>,
        %get3A_225 = vector.shape_cast %get3A_224 : vector<1x16xf32> to vector<16xf32>
        %get3A_226 = arith.index_cast %scan3A_122 : i32 to index
        %get3A_227 = arith.constant 96 : index
        %get3A_228 = tpu.vector_load %arg15[%get3A_226, %get3A_227] {strides = array<i32>} : memref<64x128xf32, #tpu.memory_space<vmem>>, vector<1x16xf32>,
        %get3A_229 = vector.shape_cast %get3A_228 : vector<1x16xf32> to vector<16xf32>
        %add3A_230 = arith.addf %get3A_225, %get3A_229 : vector<16xf32>
        %max3A_231 = arith.constant 0.000000e+00 : f32
        %max3A_232 = vector.broadcast %max3A_231 : f32 to vector<16xf32>
        %max3A_233 = arith.maximumf %add3A_230, %max3A_232 : vector<16xf32>
        %swap3A_234 = arith.index_cast %scan3A_122 : i32 to index
        %swap3A_235 = arith.constant 96 : index
        %swap3A_236 = tpu.vector_load %arg13[%swap3A_234, %swap3A_235] {strides = array<i32>} : memref<64x128xf32, #tpu.memory_space<vmem>>, vector<1x16xf32>,
        %swap3A_237 = vector.shape_cast %swap3A_236 : vector<1x16xf32> to vector<16xf32>
        %swap3A_238 = vector.shape_cast %max3A_233 : vector<16xf32> to vector<1x16xf32>
        tpu.vector_store %arg13[%swap3A_234, %swap3A_235], %swap3A_238 {strides = array<i32>} : memref<64x128xf32, #tpu.memory_space<vmem>>, vector<1x16xf32>,
        %get3A_239 = arith.index_cast %scan3A_122 : i32 to index
        %get3A_240 = arith.constant 112 : index
        %get3A_241 = tpu.vector_load %arg13[%get3A_239, %get3A_240] {strides = array<i32>} : memref<64x128xf32, #tpu.memory_space<vmem>>, vector<1x16xf32>,
        %get3A_242 = vector.shape_cast %get3A_241 : vector<1x16xf32> to vector<16xf32>
        %get3A_243 = arith.index_cast %scan3A_122 : i32 to index
        %get3A_244 = arith.constant 112 : index
        %get3A_245 = tpu.vector_load %arg15[%get3A_243, %get3A_244] {strides = array<i32>} : memref<64x128xf32, #tpu.memory_space<vmem>>, vector<1x16xf32>,
        %get3A_246 = vector.shape_cast %get3A_245 : vector<1x16xf32> to vector<16xf32>
        %add3A_247 = arith.addf %get3A_242, %get3A_246 : vector<16xf32>
        %max3A_248 = arith.constant 0.000000e+00 : f32
        %max3A_249 = vector.broadcast %max3A_248 : f32 to vector<16xf32>
        %max3A_250 = arith.maximumf %add3A_247, %max3A_249 : vector<16xf32>
        %swap3A_251 = arith.index_cast %scan3A_122 : i32 to index
        %swap3A_252 = arith.constant 112 : index
        %swap3A_253 = tpu.vector_load %arg13[%swap3A_251, %swap3A_252] {strides = array<i32>} : memref<64x128xf32, #tpu.memory_space<vmem>>, vector<1x16xf32>,
        %swap3A_254 = vector.shape_cast %swap3A_253 : vector<1x16xf32> to vector<16xf32>
        %swap3A_255 = vector.shape_cast %max3A_250 : vector<16xf32> to vector<1x16xf32>
        tpu.vector_store %arg13[%swap3A_251, %swap3A_252], %swap3A_255 {strides = array<i32>} : memref<64x128xf32, #tpu.memory_space<vmem>>, vector<1x16xf32>,
      }
      %scan3A_70 = arith.constant 64 : i32
      %dma_wait3A_71 = arith.constant 0 : i32
      %dma_wait3A_72 = tpu.memref_slice %arg5[%dma_wait3A_71] : memref<323584xi32, #tpu.memory_space<hbm>> -> memref<64xi32, #tpu.memory_space<hbm>>
      %dma_wait3A_73 = arith.constant 0 : i32
      %dma_wait3A_74 = tpu.memref_slice %arg5[%dma_wait3A_73] : memref<323584xi32, #tpu.memory_space<hbm>> -> memref<64xi32, #tpu.memory_space<hbm>>
      tpu.wait_dma2 semaphore(%arg23 : memref<!tpu.dma_semaphore, #tpu.memory_space<semaphore_mem>>) src(%dma_wait3A_74 : memref<64xi32, #tpu.memory_space<hbm>>) dst(%arg11 : memref<64xi32, #tpu.memory_space<vmem>>)
      %dma_start3A_75 = arith.constant 0 : i32
      %dma_start3A_76 = arith.constant 0 : i32
      %dma_start3A_77 = tpu.memref_slice %arg19[%dma_start3A_75, %dma_start3A_76] : memref<10112x128xf32, #tpu.memory_space<vmem_shared>> -> memref<10112x128xf32, #tpu.memory_space<vmem_shared>>
      tpu.enqueue_indirect_dma source(%arg13 : memref<64x128xf32, #tpu.memory_space<vmem>>) target(%dma_start3A_77 : memref<10112x128xf32, #tpu.memory_space<vmem_shared>>) offsets(%arg11 : memref<64xi32, #tpu.memory_space<vmem>>) semaphore(%arg29 : memref<!tpu.dma_semaphore, #tpu.memory_space<semaphore_mem>>) {add = true}
      %dma_start3A_78 = arith.constant 0 : i32
      %dma_start3A_79 = tpu.memref_slice %arg20[%dma_start3A_78] : memref<10112xf32, #tpu.memory_space<vmem_shared>> -> memref<10112xf32, #tpu.memory_space<vmem_shared>>
      tpu.enqueue_indirect_dma source(%arg17 : memref<64xf32, #tpu.memory_space<vmem>>) target(%dma_start3A_79 : memref<10112xf32, #tpu.memory_space<vmem_shared>>) offsets(%arg11 : memref<64xi32, #tpu.memory_space<vmem>>) semaphore(%arg31 : memref<!tpu.dma_semaphore, #tpu.memory_space<semaphore_mem>>) {add = true}
      %add3A_80 = arith.constant 2 : i32
      %add3A_81 = arith.addi %add3A_55, %add3A_80 : i32
      %sub3A = arith.constant 1 : i32
      %sub3A_82 = arith.subi %add3A_81, %sub3A : i32
      %lt3A = arith.constant 158 : i32
      %lt3A_83 = arith.cmpi slt, %sub3A_82, %lt3A : i32
      %convert_element_type3A = arith.extui %lt3A_83 : i1 to i32
      %cond3A = arith.constant 0 : i32
      %cond3A_84 = arith.cmpi ne, %convert_element_type3A, %cond3A : i32
      scf.if %cond3A_84 {
        %ge3A = arith.constant 1 : i32
        %ge3A_122 = arith.cmpi sge, %add3A_55, %ge3A : i32
        %convert_element_type3A_123 = arith.extui %ge3A_122 : i1 to i32
        %cond3A_124 = arith.constant 0 : i32
        %cond3A_125 = arith.cmpi ne, %convert_element_type3A_123, %cond3A_124 : i32
        scf.if %cond3A_125 {
          %dma_wait3A_148 = arith.constant 0 : i32
          %dma_wait3A_149 = arith.constant 0 : i32
          %dma_wait3A_150 = tpu.memref_slice %arg19[%dma_wait3A_148, %dma_wait3A_149] : memref<10112x128xf32, #tpu.memory_space<vmem_shared>> -> memref<10112x128xf32, #tpu.memory_space<vmem_shared>>
          tpu.wait_indirect_dma semaphore(%arg30 : memref<!tpu.dma_semaphore, #tpu.memory_space<semaphore_mem>>) src(%arg14 : memref<64x128xf32, #tpu.memory_space<vmem>>) dst(%dma_wait3A_150 : memref<10112x128xf32, #tpu.memory_space<vmem_shared>>)
          %dma_wait3A_151 = arith.constant 0 : i32
          %dma_wait3A_152 = tpu.memref_slice %arg20[%dma_wait3A_151] : memref<10112xf32, #tpu.memory_space<vmem_shared>> -> memref<10112xf32, #tpu.memory_space<vmem_shared>>
          tpu.wait_indirect_dma semaphore(%arg32 : memref<!tpu.dma_semaphore, #tpu.memory_space<semaphore_mem>>) src(%arg17 : memref<64xf32, #tpu.memory_space<vmem>>) dst(%dma_wait3A_152 : memref<10112xf32, #tpu.memory_space<vmem_shared>>)
        } else {
        }
        %add3A_126 = arith.constant 2 : i32
        %add3A_127 = arith.addi %add3A_55, %add3A_126 : i32
        %sub3A_128 = arith.constant 1 : i32
        %sub3A_129 = arith.subi %add3A_127, %sub3A_128 : i32
        %mul3A_130 = arith.constant 64 : i32
        %mul3A_131 = arith.muli %sub3A_129, %mul3A_130 : i32
        %add3A_132 = arith.addi %mul3A_4, %mul3A_131 : i32
        %dma_start3A_133 = tpu.memref_slice %arg4[%add3A_132] : memref<323584xi32, #tpu.memory_space<hbm>> -> memref<64xi32, #tpu.memory_space<hbm>>
        %dma_start3A_134 = tpu.memref_slice %arg4[%add3A_132] : memref<323584xi32, #tpu.memory_space<hbm>> -> memref<64xi32, #tpu.memory_space<hbm>>
        tpu.enqueue_dma source(%dma_start3A_134 : memref<64xi32, #tpu.memory_space<hbm>>) target(%arg10 : memref<64xi32, #tpu.memory_space<vmem>>) target_semaphore(%arg22 : memref<!tpu.dma_semaphore, #tpu.memory_space<semaphore_mem>>)
        %dma_start3A_135 = tpu.memref_slice %arg5[%add3A_132] : memref<323584xi32, #tpu.memory_space<hbm>> -> memref<64xi32, #tpu.memory_space<hbm>>
        %dma_start3A_136 = tpu.memref_slice %arg5[%add3A_132] : memref<323584xi32, #tpu.memory_space<hbm>> -> memref<64xi32, #tpu.memory_space<hbm>>
        tpu.enqueue_dma source(%dma_start3A_136 : memref<64xi32, #tpu.memory_space<hbm>>) target(%arg12 : memref<64xi32, #tpu.memory_space<vmem>>) target_semaphore(%arg24 : memref<!tpu.dma_semaphore, #tpu.memory_space<semaphore_mem>>)
        %dma_start3A_137 = arith.constant 0 : i32
        %dma_start3A_138 = tpu.memref_slice %arg3[%add3A_132, %dma_start3A_137] : memref<323584x128xf32, #tpu.memory_space<hbm>> -> memref<64x128xf32, #tpu.memory_space<hbm>>
        %dma_start3A_139 = arith.constant 0 : i32
        %dma_start3A_140 = tpu.memref_slice %arg3[%add3A_132, %dma_start3A_139] : memref<323584x128xf32, #tpu.memory_space<hbm>> -> memref<64x128xf32, #tpu.memory_space<hbm>>
        tpu.enqueue_dma source(%dma_start3A_140 : memref<64x128xf32, #tpu.memory_space<hbm>>) target(%arg16 : memref<64x128xf32, #tpu.memory_space<vmem>>) target_semaphore(%arg28 : memref<!tpu.dma_semaphore, #tpu.memory_space<semaphore_mem>>)
        %dma_wait3A_141 = arith.constant 0 : i32
        %dma_wait3A_142 = tpu.memref_slice %arg4[%dma_wait3A_141] : memref<323584xi32, #tpu.memory_space<hbm>> -> memref<64xi32, #tpu.memory_space<hbm>>
        %dma_wait3A_143 = arith.constant 0 : i32
        %dma_wait3A_144 = tpu.memref_slice %arg4[%dma_wait3A_143] : memref<323584xi32, #tpu.memory_space<hbm>> -> memref<64xi32, #tpu.memory_space<hbm>>
        tpu.wait_dma2 semaphore(%arg22 : memref<!tpu.dma_semaphore, #tpu.memory_space<semaphore_mem>>) src(%dma_wait3A_144 : memref<64xi32, #tpu.memory_space<hbm>>) dst(%arg10 : memref<64xi32, #tpu.memory_space<vmem>>)
        %dma_start3A_145 = arith.constant 0 : i32
        %dma_start3A_146 = arith.constant 0 : i32
        %dma_start3A_147 = tpu.memref_slice %arg2[%dma_start3A_145, %dma_start3A_146] : memref<10000x128xf32, #tpu.memory_space<hbm>> -> memref<10000x128xf32, #tpu.memory_space<hbm>>
        tpu.enqueue_indirect_dma source(%dma_start3A_147 : memref<10000x128xf32, #tpu.memory_space<hbm>>) target(%arg14 : memref<64x128xf32, #tpu.memory_space<vmem>>) offsets(%arg10 : memref<64xi32, #tpu.memory_space<vmem>>) semaphore(%arg26 : memref<!tpu.dma_semaphore, #tpu.memory_space<semaphore_mem>>)
      } else {
      }
      %mul3A_85 = arith.constant 2 : i32
      %mul3A_86 = arith.muli %scan3A_51, %mul3A_85 : i32
      %add3A_87 = arith.constant 1 : i32
      %add3A_88 = arith.addi %mul3A_86, %add3A_87 : i32
      %dma_wait3A_89 = arith.constant 0 : i32
      %dma_wait3A_90 = arith.constant 0 : i32
      %dma_wait3A_91 = tpu.memref_slice %arg2[%dma_wait3A_89, %dma_wait3A_90] : memref<10000x128xf32, #tpu.memory_space<hbm>> -> memref<10000x128xf32, #tpu.memory_space<hbm>>
      tpu.wait_indirect_dma semaphore(%arg26 : memref<!tpu.dma_semaphore, #tpu.memory_space<semaphore_mem>>) src(%dma_wait3A_91 : memref<10000x128xf32, #tpu.memory_space<hbm>>) dst(%arg14 : memref<64x128xf32, #tpu.memory_space<vmem>>)
      %dma_wait3A_92 = arith.constant 0 : i32
      %dma_wait3A_93 = arith.constant 0 : i32
      %dma_wait3A_94 = tpu.memref_slice %arg3[%dma_wait3A_92, %dma_wait3A_93] : memref<323584x128xf32, #tpu.memory_space<hbm>> -> memref<64x128xf32, #tpu.memory_space<hbm>>
      %dma_wait3A_95 = arith.constant 0 : i32
      %dma_wait3A_96 = arith.constant 0 : i32
      %dma_wait3A_97 = tpu.memref_slice %arg3[%dma_wait3A_95, %dma_wait3A_96] : memref<323584x128xf32, #tpu.memory_space<hbm>> -> memref<64x128xf32, #tpu.memory_space<hbm>>
      tpu.wait_dma2 semaphore(%arg28 : memref<!tpu.dma_semaphore, #tpu.memory_space<semaphore_mem>>) src(%dma_wait3A_97 : memref<64x128xf32, #tpu.memory_space<hbm>>) dst(%arg16 : memref<64x128xf32, #tpu.memory_space<vmem>>)
      %scan3A_98 = arith.constant 0 : i32
      %scan3A_99 = arith.constant 0 : i32
      %scan3A_100 = arith.constant 64 : i32
      %scan3A_101 = arith.addi %scan3A_99, %scan3A_100 : i32
      %scan3A_102 = arith.constant 1 : i32
      scf.for %scan3A_122 = %scan3A_99 to %scan3A_101 step %scan3A_102  : i32 {
        %get3A = arith.index_cast %scan3A_122 : i32 to index
        %get3A_123 = arith.constant 0 : index
        %get3A_124 = tpu.vector_load %arg14[%get3A, %get3A_123] {strides = array<i32>} : memref<64x128xf32, #tpu.memory_space<vmem>>, vector<1x16xf32>,
        %get3A_125 = vector.shape_cast %get3A_124 : vector<1x16xf32> to vector<16xf32>
        %get3A_126 = arith.index_cast %scan3A_122 : i32 to index
        %get3A_127 = arith.constant 0 : index
        %get3A_128 = tpu.vector_load %arg16[%get3A_126, %get3A_127] {strides = array<i32>} : memref<64x128xf32, #tpu.memory_space<vmem>>, vector<1x16xf32>,
        %get3A_129 = vector.shape_cast %get3A_128 : vector<1x16xf32> to vector<16xf32>
        %add3A_130 = arith.addf %get3A_125, %get3A_129 : vector<16xf32>
        %max3A = arith.constant 0.000000e+00 : f32
        %max3A_131 = vector.broadcast %max3A : f32 to vector<16xf32>
        %max3A_132 = arith.maximumf %add3A_130, %max3A_131 : vector<16xf32>
        %swap3A = arith.index_cast %scan3A_122 : i32 to index
        %swap3A_133 = arith.constant 0 : index
        %swap3A_134 = tpu.vector_load %arg14[%swap3A, %swap3A_133] {strides = array<i32>} : memref<64x128xf32, #tpu.memory_space<vmem>>, vector<1x16xf32>,
        %swap3A_135 = vector.shape_cast %swap3A_134 : vector<1x16xf32> to vector<16xf32>
        %swap3A_136 = vector.shape_cast %max3A_132 : vector<16xf32> to vector<1x16xf32>
        tpu.vector_store %arg14[%swap3A, %swap3A_133], %swap3A_136 {strides = array<i32>} : memref<64x128xf32, #tpu.memory_space<vmem>>, vector<1x16xf32>,
        %get3A_137 = arith.index_cast %scan3A_122 : i32 to index
        %get3A_138 = arith.constant 16 : index
        %get3A_139 = tpu.vector_load %arg14[%get3A_137, %get3A_138] {strides = array<i32>} : memref<64x128xf32, #tpu.memory_space<vmem>>, vector<1x16xf32>,
        %get3A_140 = vector.shape_cast %get3A_139 : vector<1x16xf32> to vector<16xf32>
        %get3A_141 = arith.index_cast %scan3A_122 : i32 to index
        %get3A_142 = arith.constant 16 : index
        %get3A_143 = tpu.vector_load %arg16[%get3A_141, %get3A_142] {strides = array<i32>} : memref<64x128xf32, #tpu.memory_space<vmem>>, vector<1x16xf32>,
        %get3A_144 = vector.shape_cast %get3A_143 : vector<1x16xf32> to vector<16xf32>
        %add3A_145 = arith.addf %get3A_140, %get3A_144 : vector<16xf32>
        %max3A_146 = arith.constant 0.000000e+00 : f32
        %max3A_147 = vector.broadcast %max3A_146 : f32 to vector<16xf32>
        %max3A_148 = arith.maximumf %add3A_145, %max3A_147 : vector<16xf32>
        %swap3A_149 = arith.index_cast %scan3A_122 : i32 to index
        %swap3A_150 = arith.constant 16 : index
        %swap3A_151 = tpu.vector_load %arg14[%swap3A_149, %swap3A_150] {strides = array<i32>} : memref<64x128xf32, #tpu.memory_space<vmem>>, vector<1x16xf32>,
        %swap3A_152 = vector.shape_cast %swap3A_151 : vector<1x16xf32> to vector<16xf32>
        %swap3A_153 = vector.shape_cast %max3A_148 : vector<16xf32> to vector<1x16xf32>
        tpu.vector_store %arg14[%swap3A_149, %swap3A_150], %swap3A_153 {strides = array<i32>} : memref<64x128xf32, #tpu.memory_space<vmem>>, vector<1x16xf32>,
        %get3A_154 = arith.index_cast %scan3A_122 : i32 to index
        %get3A_155 = arith.constant 32 : index
        %get3A_156 = tpu.vector_load %arg14[%get3A_154, %get3A_155] {strides = array<i32>} : memref<64x128xf32, #tpu.memory_space<vmem>>, vector<1x16xf32>,
        %get3A_157 = vector.shape_cast %get3A_156 : vector<1x16xf32> to vector<16xf32>
        %get3A_158 = arith.index_cast %scan3A_122 : i32 to index
        %get3A_159 = arith.constant 32 : index
        %get3A_160 = tpu.vector_load %arg16[%get3A_158, %get3A_159] {strides = array<i32>} : memref<64x128xf32, #tpu.memory_space<vmem>>, vector<1x16xf32>,
        %get3A_161 = vector.shape_cast %get3A_160 : vector<1x16xf32> to vector<16xf32>
        %add3A_162 = arith.addf %get3A_157, %get3A_161 : vector<16xf32>
        %max3A_163 = arith.constant 0.000000e+00 : f32
        %max3A_164 = vector.broadcast %max3A_163 : f32 to vector<16xf32>
        %max3A_165 = arith.maximumf %add3A_162, %max3A_164 : vector<16xf32>
        %swap3A_166 = arith.index_cast %scan3A_122 : i32 to index
        %swap3A_167 = arith.constant 32 : index
        %swap3A_168 = tpu.vector_load %arg14[%swap3A_166, %swap3A_167] {strides = array<i32>} : memref<64x128xf32, #tpu.memory_space<vmem>>, vector<1x16xf32>,
        %swap3A_169 = vector.shape_cast %swap3A_168 : vector<1x16xf32> to vector<16xf32>
        %swap3A_170 = vector.shape_cast %max3A_165 : vector<16xf32> to vector<1x16xf32>
        tpu.vector_store %arg14[%swap3A_166, %swap3A_167], %swap3A_170 {strides = array<i32>} : memref<64x128xf32, #tpu.memory_space<vmem>>, vector<1x16xf32>,
        %get3A_171 = arith.index_cast %scan3A_122 : i32 to index
        %get3A_172 = arith.constant 48 : index
        %get3A_173 = tpu.vector_load %arg14[%get3A_171, %get3A_172] {strides = array<i32>} : memref<64x128xf32, #tpu.memory_space<vmem>>, vector<1x16xf32>,
        %get3A_174 = vector.shape_cast %get3A_173 : vector<1x16xf32> to vector<16xf32>
        %get3A_175 = arith.index_cast %scan3A_122 : i32 to index
        %get3A_176 = arith.constant 48 : index
        %get3A_177 = tpu.vector_load %arg16[%get3A_175, %get3A_176] {strides = array<i32>} : memref<64x128xf32, #tpu.memory_space<vmem>>, vector<1x16xf32>,
        %get3A_178 = vector.shape_cast %get3A_177 : vector<1x16xf32> to vector<16xf32>
        %add3A_179 = arith.addf %get3A_174, %get3A_178 : vector<16xf32>
        %max3A_180 = arith.constant 0.000000e+00 : f32
        %max3A_181 = vector.broadcast %max3A_180 : f32 to vector<16xf32>
        %max3A_182 = arith.maximumf %add3A_179, %max3A_181 : vector<16xf32>
        %swap3A_183 = arith.index_cast %scan3A_122 : i32 to index
        %swap3A_184 = arith.constant 48 : index
        %swap3A_185 = tpu.vector_load %arg14[%swap3A_183, %swap3A_184] {strides = array<i32>} : memref<64x128xf32, #tpu.memory_space<vmem>>, vector<1x16xf32>,
        %swap3A_186 = vector.shape_cast %swap3A_185 : vector<1x16xf32> to vector<16xf32>
        %swap3A_187 = vector.shape_cast %max3A_182 : vector<16xf32> to vector<1x16xf32>
        tpu.vector_store %arg14[%swap3A_183, %swap3A_184], %swap3A_187 {strides = array<i32>} : memref<64x128xf32, #tpu.memory_space<vmem>>, vector<1x16xf32>,
        %get3A_188 = arith.index_cast %scan3A_122 : i32 to index
        %get3A_189 = arith.constant 64 : index
        %get3A_190 = tpu.vector_load %arg14[%get3A_188, %get3A_189] {strides = array<i32>} : memref<64x128xf32, #tpu.memory_space<vmem>>, vector<1x16xf32>,
        %get3A_191 = vector.shape_cast %get3A_190 : vector<1x16xf32> to vector<16xf32>
        %get3A_192 = arith.index_cast %scan3A_122 : i32 to index
        %get3A_193 = arith.constant 64 : index
        %get3A_194 = tpu.vector_load %arg16[%get3A_192, %get3A_193] {strides = array<i32>} : memref<64x128xf32, #tpu.memory_space<vmem>>, vector<1x16xf32>,
        %get3A_195 = vector.shape_cast %get3A_194 : vector<1x16xf32> to vector<16xf32>
        %add3A_196 = arith.addf %get3A_191, %get3A_195 : vector<16xf32>
        %max3A_197 = arith.constant 0.000000e+00 : f32
        %max3A_198 = vector.broadcast %max3A_197 : f32 to vector<16xf32>
        %max3A_199 = arith.maximumf %add3A_196, %max3A_198 : vector<16xf32>
        %swap3A_200 = arith.index_cast %scan3A_122 : i32 to index
        %swap3A_201 = arith.constant 64 : index
        %swap3A_202 = tpu.vector_load %arg14[%swap3A_200, %swap3A_201] {strides = array<i32>} : memref<64x128xf32, #tpu.memory_space<vmem>>, vector<1x16xf32>,
        %swap3A_203 = vector.shape_cast %swap3A_202 : vector<1x16xf32> to vector<16xf32>
        %swap3A_204 = vector.shape_cast %max3A_199 : vector<16xf32> to vector<1x16xf32>
        tpu.vector_store %arg14[%swap3A_200, %swap3A_201], %swap3A_204 {strides = array<i32>} : memref<64x128xf32, #tpu.memory_space<vmem>>, vector<1x16xf32>,
        %get3A_205 = arith.index_cast %scan3A_122 : i32 to index
        %get3A_206 = arith.constant 80 : index
        %get3A_207 = tpu.vector_load %arg14[%get3A_205, %get3A_206] {strides = array<i32>} : memref<64x128xf32, #tpu.memory_space<vmem>>, vector<1x16xf32>,
        %get3A_208 = vector.shape_cast %get3A_207 : vector<1x16xf32> to vector<16xf32>
        %get3A_209 = arith.index_cast %scan3A_122 : i32 to index
        %get3A_210 = arith.constant 80 : index
        %get3A_211 = tpu.vector_load %arg16[%get3A_209, %get3A_210] {strides = array<i32>} : memref<64x128xf32, #tpu.memory_space<vmem>>, vector<1x16xf32>,
        %get3A_212 = vector.shape_cast %get3A_211 : vector<1x16xf32> to vector<16xf32>
        %add3A_213 = arith.addf %get3A_208, %get3A_212 : vector<16xf32>
        %max3A_214 = arith.constant 0.000000e+00 : f32
        %max3A_215 = vector.broadcast %max3A_214 : f32 to vector<16xf32>
        %max3A_216 = arith.maximumf %add3A_213, %max3A_215 : vector<16xf32>
        %swap3A_217 = arith.index_cast %scan3A_122 : i32 to index
        %swap3A_218 = arith.constant 80 : index
        %swap3A_219 = tpu.vector_load %arg14[%swap3A_217, %swap3A_218] {strides = array<i32>} : memref<64x128xf32, #tpu.memory_space<vmem>>, vector<1x16xf32>,
        %swap3A_220 = vector.shape_cast %swap3A_219 : vector<1x16xf32> to vector<16xf32>
        %swap3A_221 = vector.shape_cast %max3A_216 : vector<16xf32> to vector<1x16xf32>
        tpu.vector_store %arg14[%swap3A_217, %swap3A_218], %swap3A_221 {strides = array<i32>} : memref<64x128xf32, #tpu.memory_space<vmem>>, vector<1x16xf32>,
        %get3A_222 = arith.index_cast %scan3A_122 : i32 to index
        %get3A_223 = arith.constant 96 : index
        %get3A_224 = tpu.vector_load %arg14[%get3A_222, %get3A_223] {strides = array<i32>} : memref<64x128xf32, #tpu.memory_space<vmem>>, vector<1x16xf32>,
        %get3A_225 = vector.shape_cast %get3A_224 : vector<1x16xf32> to vector<16xf32>
        %get3A_226 = arith.index_cast %scan3A_122 : i32 to index
        %get3A_227 = arith.constant 96 : index
        %get3A_228 = tpu.vector_load %arg16[%get3A_226, %get3A_227] {strides = array<i32>} : memref<64x128xf32, #tpu.memory_space<vmem>>, vector<1x16xf32>,
        %get3A_229 = vector.shape_cast %get3A_228 : vector<1x16xf32> to vector<16xf32>
        %add3A_230 = arith.addf %get3A_225, %get3A_229 : vector<16xf32>
        %max3A_231 = arith.constant 0.000000e+00 : f32
        %max3A_232 = vector.broadcast %max3A_231 : f32 to vector<16xf32>
        %max3A_233 = arith.maximumf %add3A_230, %max3A_232 : vector<16xf32>
        %swap3A_234 = arith.index_cast %scan3A_122 : i32 to index
        %swap3A_235 = arith.constant 96 : index
        %swap3A_236 = tpu.vector_load %arg14[%swap3A_234, %swap3A_235] {strides = array<i32>} : memref<64x128xf32, #tpu.memory_space<vmem>>, vector<1x16xf32>,
        %swap3A_237 = vector.shape_cast %swap3A_236 : vector<1x16xf32> to vector<16xf32>
        %swap3A_238 = vector.shape_cast %max3A_233 : vector<16xf32> to vector<1x16xf32>
        tpu.vector_store %arg14[%swap3A_234, %swap3A_235], %swap3A_238 {strides = array<i32>} : memref<64x128xf32, #tpu.memory_space<vmem>>, vector<1x16xf32>,
        %get3A_239 = arith.index_cast %scan3A_122 : i32 to index
        %get3A_240 = arith.constant 112 : index
        %get3A_241 = tpu.vector_load %arg14[%get3A_239, %get3A_240] {strides = array<i32>} : memref<64x128xf32, #tpu.memory_space<vmem>>, vector<1x16xf32>,
        %get3A_242 = vector.shape_cast %get3A_241 : vector<1x16xf32> to vector<16xf32>
        %get3A_243 = arith.index_cast %scan3A_122 : i32 to index
        %get3A_244 = arith.constant 112 : index
        %get3A_245 = tpu.vector_load %arg16[%get3A_243, %get3A_244] {strides = array<i32>} : memref<64x128xf32, #tpu.memory_space<vmem>>, vector<1x16xf32>,
        %get3A_246 = vector.shape_cast %get3A_245 : vector<1x16xf32> to vector<16xf32>
        %add3A_247 = arith.addf %get3A_242, %get3A_246 : vector<16xf32>
        %max3A_248 = arith.constant 0.000000e+00 : f32
        %max3A_249 = vector.broadcast %max3A_248 : f32 to vector<16xf32>
        %max3A_250 = arith.maximumf %add3A_247, %max3A_249 : vector<16xf32>
        %swap3A_251 = arith.index_cast %scan3A_122 : i32 to index
        %swap3A_252 = arith.constant 112 : index
        %swap3A_253 = tpu.vector_load %arg14[%swap3A_251, %swap3A_252] {strides = array<i32>} : memref<64x128xf32, #tpu.memory_space<vmem>>, vector<1x16xf32>,
        %swap3A_254 = vector.shape_cast %swap3A_253 : vector<1x16xf32> to vector<16xf32>
        %swap3A_255 = vector.shape_cast %max3A_250 : vector<16xf32> to vector<1x16xf32>
        tpu.vector_store %arg14[%swap3A_251, %swap3A_252], %swap3A_255 {strides = array<i32>} : memref<64x128xf32, #tpu.memory_space<vmem>>, vector<1x16xf32>,
      }
      %scan3A_103 = arith.constant 64 : i32
      %dma_wait3A_104 = arith.constant 0 : i32
      %dma_wait3A_105 = tpu.memref_slice %arg5[%dma_wait3A_104] : memref<323584xi32, #tpu.memory_space<hbm>> -> memref<64xi32, #tpu.memory_space<hbm>>
      %dma_wait3A_106 = arith.constant 0 : i32
      %dma_wait3A_107 = tpu.memref_slice %arg5[%dma_wait3A_106] : memref<323584xi32, #tpu.memory_space<hbm>> -> memref<64xi32, #tpu.memory_space<hbm>>
      tpu.wait_dma2 semaphore(%arg24 : memref<!tpu.dma_semaphore, #tpu.memory_space<semaphore_mem>>) src(%dma_wait3A_107 : memref<64xi32, #tpu.memory_space<hbm>>) dst(%arg12 : memref<64xi32, #tpu.memory_space<vmem>>)
      %dma_start3A_108 = arith.constant 0 : i32
      %dma_start3A_109 = arith.constant 0 : i32
      %dma_start3A_110 = tpu.memref_slice %arg19[%dma_start3A_108, %dma_start3A_109] : memref<10112x128xf32, #tpu.memory_space<vmem_shared>> -> memref<10112x128xf32, #tpu.memory_space<vmem_shared>>
      tpu.enqueue_indirect_dma source(%arg14 : memref<64x128xf32, #tpu.memory_space<vmem>>) target(%dma_start3A_110 : memref<10112x128xf32, #tpu.memory_space<vmem_shared>>) offsets(%arg12 : memref<64xi32, #tpu.memory_space<vmem>>) semaphore(%arg30 : memref<!tpu.dma_semaphore, #tpu.memory_space<semaphore_mem>>) {add = true}
      %dma_start3A_111 = arith.constant 0 : i32
      %dma_start3A_112 = tpu.memref_slice %arg20[%dma_start3A_111] : memref<10112xf32, #tpu.memory_space<vmem_shared>> -> memref<10112xf32, #tpu.memory_space<vmem_shared>>
      tpu.enqueue_indirect_dma source(%arg17 : memref<64xf32, #tpu.memory_space<vmem>>) target(%dma_start3A_112 : memref<10112xf32, #tpu.memory_space<vmem_shared>>) offsets(%arg12 : memref<64xi32, #tpu.memory_space<vmem>>) semaphore(%arg32 : memref<!tpu.dma_semaphore, #tpu.memory_space<semaphore_mem>>) {add = true}
      %add3A_113 = arith.constant 2 : i32
      %add3A_114 = arith.addi %add3A_88, %add3A_113 : i32
      %sub3A_115 = arith.constant 1 : i32
      %sub3A_116 = arith.subi %add3A_114, %sub3A_115 : i32
      %lt3A_117 = arith.constant 158 : i32
      %lt3A_118 = arith.cmpi slt, %sub3A_116, %lt3A_117 : i32
      %convert_element_type3A_119 = arith.extui %lt3A_118 : i1 to i32
      %cond3A_120 = arith.constant 0 : i32
      %cond3A_121 = arith.cmpi ne, %convert_element_type3A_119, %cond3A_120 : i32
      scf.if %cond3A_121 {
        %ge3A = arith.constant 1 : i32
        %ge3A_122 = arith.cmpi sge, %add3A_88, %ge3A : i32
        %convert_element_type3A_123 = arith.extui %ge3A_122 : i1 to i32
        %cond3A_124 = arith.constant 0 : i32
        %cond3A_125 = arith.cmpi ne, %convert_element_type3A_123, %cond3A_124 : i32
        scf.if %cond3A_125 {
          %dma_wait3A_148 = arith.constant 0 : i32
          %dma_wait3A_149 = arith.constant 0 : i32
          %dma_wait3A_150 = tpu.memref_slice %arg19[%dma_wait3A_148, %dma_wait3A_149] : memref<10112x128xf32, #tpu.memory_space<vmem_shared>> -> memref<10112x128xf32, #tpu.memory_space<vmem_shared>>
          tpu.wait_indirect_dma semaphore(%arg29 : memref<!tpu.dma_semaphore, #tpu.memory_space<semaphore_mem>>) src(%arg13 : memref<64x128xf32, #tpu.memory_space<vmem>>) dst(%dma_wait3A_150 : memref<10112x128xf32, #tpu.memory_space<vmem_shared>>)
          %dma_wait3A_151 = arith.constant 0 : i32
          %dma_wait3A_152 = tpu.memref_slice %arg20[%dma_wait3A_151] : memref<10112xf32, #tpu.memory_space<vmem_shared>> -> memref<10112xf32, #tpu.memory_space<vmem_shared>>
          tpu.wait_indirect_dma semaphore(%arg31 : memref<!tpu.dma_semaphore, #tpu.memory_space<semaphore_mem>>) src(%arg17 : memref<64xf32, #tpu.memory_space<vmem>>) dst(%dma_wait3A_152 : memref<10112xf32, #tpu.memory_space<vmem_shared>>)
        } else {
        }
        %add3A_126 = arith.constant 2 : i32
        %add3A_127 = arith.addi %add3A_88, %add3A_126 : i32
        %sub3A_128 = arith.constant 1 : i32
        %sub3A_129 = arith.subi %add3A_127, %sub3A_128 : i32
        %mul3A_130 = arith.constant 64 : i32
        %mul3A_131 = arith.muli %sub3A_129, %mul3A_130 : i32
        %add3A_132 = arith.addi %mul3A_4, %mul3A_131 : i32
        %dma_start3A_133 = tpu.memref_slice %arg4[%add3A_132] : memref<323584xi32, #tpu.memory_space<hbm>> -> memref<64xi32, #tpu.memory_space<hbm>>
        %dma_start3A_134 = tpu.memref_slice %arg4[%add3A_132] : memref<323584xi32, #tpu.memory_space<hbm>> -> memref<64xi32, #tpu.memory_space<hbm>>
        tpu.enqueue_dma source(%dma_start3A_134 : memref<64xi32, #tpu.memory_space<hbm>>) target(%arg9 : memref<64xi32, #tpu.memory_space<vmem>>) target_semaphore(%arg21 : memref<!tpu.dma_semaphore, #tpu.memory_space<semaphore_mem>>)
        %dma_start3A_135 = tpu.memref_slice %arg5[%add3A_132] : memref<323584xi32, #tpu.memory_space<hbm>> -> memref<64xi32, #tpu.memory_space<hbm>>
        %dma_start3A_136 = tpu.memref_slice %arg5[%add3A_132] : memref<323584xi32, #tpu.memory_space<hbm>> -> memref<64xi32, #tpu.memory_space<hbm>>
        tpu.enqueue_dma source(%dma_start3A_136 : memref<64xi32, #tpu.memory_space<hbm>>) target(%arg11 : memref<64xi32, #tpu.memory_space<vmem>>) target_semaphore(%arg23 : memref<!tpu.dma_semaphore, #tpu.memory_space<semaphore_mem>>)
        %dma_start3A_137 = arith.constant 0 : i32
        %dma_start3A_138 = tpu.memref_slice %arg3[%add3A_132, %dma_start3A_137] : memref<323584x128xf32, #tpu.memory_space<hbm>> -> memref<64x128xf32, #tpu.memory_space<hbm>>
        %dma_start3A_139 = arith.constant 0 : i32
        %dma_start3A_140 = tpu.memref_slice %arg3[%add3A_132, %dma_start3A_139] : memref<323584x128xf32, #tpu.memory_space<hbm>> -> memref<64x128xf32, #tpu.memory_space<hbm>>
        tpu.enqueue_dma source(%dma_start3A_140 : memref<64x128xf32, #tpu.memory_space<hbm>>) target(%arg15 : memref<64x128xf32, #tpu.memory_space<vmem>>) target_semaphore(%arg27 : memref<!tpu.dma_semaphore, #tpu.memory_space<semaphore_mem>>)
        %dma_wait3A_141 = arith.constant 0 : i32
        %dma_wait3A_142 = tpu.memref_slice %arg4[%dma_wait3A_141] : memref<323584xi32, #tpu.memory_space<hbm>> -> memref<64xi32, #tpu.memory_space<hbm>>
        %dma_wait3A_143 = arith.constant 0 : i32
        %dma_wait3A_144 = tpu.memref_slice %arg4[%dma_wait3A_143] : memref<323584xi32, #tpu.memory_space<hbm>> -> memref<64xi32, #tpu.memory_space<hbm>>
        tpu.wait_dma2 semaphore(%arg21 : memref<!tpu.dma_semaphore, #tpu.memory_space<semaphore_mem>>) src(%dma_wait3A_144 : memref<64xi32, #tpu.memory_space<hbm>>) dst(%arg9 : memref<64xi32, #tpu.memory_space<vmem>>)
        %dma_start3A_145 = arith.constant 0 : i32
        %dma_start3A_146 = arith.constant 0 : i32
        %dma_start3A_147 = tpu.memref_slice %arg2[%dma_start3A_145, %dma_start3A_146] : memref<10000x128xf32, #tpu.memory_space<hbm>> -> memref<10000x128xf32, #tpu.memory_space<hbm>>
        tpu.enqueue_indirect_dma source(%dma_start3A_147 : memref<10000x128xf32, #tpu.memory_space<hbm>>) target(%arg13 : memref<64x128xf32, #tpu.memory_space<vmem>>) offsets(%arg9 : memref<64xi32, #tpu.memory_space<vmem>>) semaphore(%arg25 : memref<!tpu.dma_semaphore, #tpu.memory_space<semaphore_mem>>)
      } else {
      }
    }
    %scan3A_36 = arith.constant 79 : i32
    %dma_wait3A_37 = arith.constant 0 : i32
    %dma_wait3A_38 = arith.constant 0 : i32
    %dma_wait3A_39 = tpu.memref_slice %arg19[%dma_wait3A_37, %dma_wait3A_38] : memref<10112x128xf32, #tpu.memory_space<vmem_shared>> -> memref<10112x128xf32, #tpu.memory_space<vmem_shared>>
    tpu.wait_indirect_dma semaphore(%arg29 : memref<!tpu.dma_semaphore, #tpu.memory_space<semaphore_mem>>) src(%arg13 : memref<64x128xf32, #tpu.memory_space<vmem>>) dst(%dma_wait3A_39 : memref<10112x128xf32, #tpu.memory_space<vmem_shared>>)
    %dma_wait3A_40 = arith.constant 0 : i32
    %dma_wait3A_41 = tpu.memref_slice %arg20[%dma_wait3A_40] : memref<10112xf32, #tpu.memory_space<vmem_shared>> -> memref<10112xf32, #tpu.memory_space<vmem_shared>>
    tpu.wait_indirect_dma semaphore(%arg31 : memref<!tpu.dma_semaphore, #tpu.memory_space<semaphore_mem>>) src(%arg17 : memref<64xf32, #tpu.memory_space<vmem>>) dst(%dma_wait3A_41 : memref<10112xf32, #tpu.memory_space<vmem_shared>>)
    %dma_wait3A_42 = arith.constant 0 : i32
    %dma_wait3A_43 = arith.constant 0 : i32
    %dma_wait3A_44 = tpu.memref_slice %arg19[%dma_wait3A_42, %dma_wait3A_43] : memref<10112x128xf32, #tpu.memory_space<vmem_shared>> -> memref<10112x128xf32, #tpu.memory_space<vmem_shared>>
    tpu.wait_indirect_dma semaphore(%arg30 : memref<!tpu.dma_semaphore, #tpu.memory_space<semaphore_mem>>) src(%arg14 : memref<64x128xf32, #tpu.memory_space<vmem>>) dst(%dma_wait3A_44 : memref<10112x128xf32, #tpu.memory_space<vmem_shared>>)
    %dma_wait3A_45 = arith.constant 0 : i32
    %dma_wait3A_46 = tpu.memref_slice %arg20[%dma_wait3A_45] : memref<10112xf32, #tpu.memory_space<vmem_shared>> -> memref<10112xf32, #tpu.memory_space<vmem_shared>>
    tpu.wait_indirect_dma semaphore(%arg32 : memref<!tpu.dma_semaphore, #tpu.memory_space<semaphore_mem>>) src(%arg17 : memref<64xf32, #tpu.memory_space<vmem>>) dst(%dma_wait3A_46 : memref<10112xf32, #tpu.memory_space<vmem_shared>>)
    %barrier3A_47 = arith.constant 0 : index
    tpu.barrier barrier_id(%barrier3A_47)
    "tpu.region"() ({
      %run_scoped3A = tpu.sem_alloc : memref<!tpu.dma_semaphore, #tpu.memory_space<semaphore_mem>>
      %dma_start3A_51 = arith.constant 0 : i32
      %dma_start3A_52 = tpu.memref_slice %arg7[%arg0, %mul3A_2, %dma_start3A_51] : memref<2x10112x128xf32, #tpu.memory_space<hbm>> -> memref<1x632x128xf32, #tpu.memory_space<hbm>>
      %dma_start3A_53 = tpu.memref_squeeze %dma_start3A_52 : memref<1x632x128xf32, #tpu.memory_space<hbm>> -> memref<632x128xf32, #tpu.memory_space<hbm>>
      %dma_start3A_54 = arith.constant 0 : i32
      %dma_start3A_55 = tpu.memref_slice %arg19[%mul3A_2, %dma_start3A_54] : memref<10112x128xf32, #tpu.memory_space<vmem_shared>> -> memref<632x128xf32, #tpu.memory_space<vmem_shared>>
      tpu.enqueue_dma source(%dma_start3A_55 : memref<632x128xf32, #tpu.memory_space<vmem_shared>>) target(%dma_start3A_53 : memref<632x128xf32, #tpu.memory_space<hbm>>) target_semaphore(%run_scoped3A : memref<!tpu.dma_semaphore, #tpu.memory_space<semaphore_mem>>)
      %dma_wait3A_56 = arith.constant 0 : i32
      %dma_wait3A_57 = tpu.memref_slice %arg7[%arg0, %mul3A_2, %dma_wait3A_56] : memref<2x10112x128xf32, #tpu.memory_space<hbm>> -> memref<1x632x128xf32, #tpu.memory_space<hbm>>
      %dma_wait3A_58 = tpu.memref_squeeze %dma_wait3A_57 : memref<1x632x128xf32, #tpu.memory_space<hbm>> -> memref<632x128xf32, #tpu.memory_space<hbm>>
      %dma_wait3A_59 = arith.constant 0 : i32
      %dma_wait3A_60 = tpu.memref_slice %arg19[%mul3A_2, %dma_wait3A_59] : memref<10112x128xf32, #tpu.memory_space<vmem_shared>> -> memref<632x128xf32, #tpu.memory_space<vmem_shared>>
      tpu.wait_dma2 semaphore(%run_scoped3A : memref<!tpu.dma_semaphore, #tpu.memory_space<semaphore_mem>>) src(%dma_wait3A_60 : memref<632x128xf32, #tpu.memory_space<vmem_shared>>) dst(%dma_wait3A_58 : memref<632x128xf32, #tpu.memory_space<hbm>>)
      tpu.yield
    }) : () -> ()
    "tpu.region"() ({
      %run_scoped3A = tpu.sem_alloc : memref<!tpu.dma_semaphore, #tpu.memory_space<semaphore_mem>>
      %dma_start3A_51 = arith.constant 0 : i32
      %dma_start3A_52 = tpu.memref_slice %arg18[%dma_start3A_51] : memref<640xf32, #tpu.memory_space<vmem>> -> memref<632xf32, #tpu.memory_space<vmem>>
      %dma_start3A_53 = tpu.memref_slice %arg20[%mul3A_2] : memref<10112xf32, #tpu.memory_space<vmem_shared>> -> memref<632xf32, #tpu.memory_space<vmem_shared>>
      %dma_start3A_54 = arith.constant 0 : i32
      %dma_start3A_55 = tpu.memref_slice %arg18[%dma_start3A_54] : memref<640xf32, #tpu.memory_space<vmem>> -> memref<632xf32, #tpu.memory_space<vmem>>
      %dma_start3A_56 = tpu.memref_slice %arg20[%mul3A_2] : memref<10112xf32, #tpu.memory_space<vmem_shared>> -> memref<632xf32, #tpu.memory_space<vmem_shared>>
      tpu.enqueue_dma source(%dma_start3A_56 : memref<632xf32, #tpu.memory_space<vmem_shared>>) target(%dma_start3A_55 : memref<632xf32, #tpu.memory_space<vmem>>) target_semaphore(%run_scoped3A : memref<!tpu.dma_semaphore, #tpu.memory_space<semaphore_mem>>)
      %dma_wait3A_57 = arith.constant 0 : i32
      %dma_wait3A_58 = tpu.memref_slice %arg18[%dma_wait3A_57] : memref<640xf32, #tpu.memory_space<vmem>> -> memref<632xf32, #tpu.memory_space<vmem>>
      %dma_wait3A_59 = tpu.memref_slice %arg20[%mul3A_2] : memref<10112xf32, #tpu.memory_space<vmem_shared>> -> memref<632xf32, #tpu.memory_space<vmem_shared>>
      %dma_wait3A_60 = arith.constant 0 : i32
      %dma_wait3A_61 = tpu.memref_slice %arg18[%dma_wait3A_60] : memref<640xf32, #tpu.memory_space<vmem>> -> memref<632xf32, #tpu.memory_space<vmem>>
      %dma_wait3A_62 = tpu.memref_slice %arg20[%mul3A_2] : memref<10112xf32, #tpu.memory_space<vmem_shared>> -> memref<632xf32, #tpu.memory_space<vmem_shared>>
      tpu.wait_dma2 semaphore(%run_scoped3A : memref<!tpu.dma_semaphore, #tpu.memory_space<semaphore_mem>>) src(%dma_wait3A_62 : memref<632xf32, #tpu.memory_space<vmem_shared>>) dst(%dma_wait3A_61 : memref<632xf32, #tpu.memory_space<vmem>>)
      tpu.yield
    }) : () -> ()
    %mul3A_48 = arith.constant 10112 : i32
    %mul3A_49 = arith.muli %arg0, %mul3A_48 : i32
    %add3A_50 = arith.addi %mul3A_49, %mul3A_2 : i32
    "tpu.region"() ({
      %run_scoped3A = tpu.sem_alloc : memref<!tpu.dma_semaphore, #tpu.memory_space<semaphore_mem>>
      %dma_start3A_51 = arith.constant 0 : i32
      %dma_start3A_52 = tpu.memref_slice %arg18[%dma_start3A_51] : memref<640xf32, #tpu.memory_space<vmem>> -> memref<632xf32, #tpu.memory_space<vmem>>
      %dma_start3A_53 = tpu.memref_slice %arg8[%add3A_50] : memref<20224xf32, #tpu.memory_space<hbm>> -> memref<632xf32, #tpu.memory_space<hbm>>
      %dma_start3A_54 = tpu.memref_slice %arg8[%add3A_50] : memref<20224xf32, #tpu.memory_space<hbm>> -> memref<632xf32, #tpu.memory_space<hbm>>
      %dma_start3A_55 = arith.constant 0 : i32
      %dma_start3A_56 = tpu.memref_slice %arg18[%dma_start3A_55] : memref<640xf32, #tpu.memory_space<vmem>> -> memref<632xf32, #tpu.memory_space<vmem>>
      tpu.enqueue_dma source(%dma_start3A_56 : memref<632xf32, #tpu.memory_space<vmem>>) target(%dma_start3A_54 : memref<632xf32, #tpu.memory_space<hbm>>) target_semaphore(%run_scoped3A : memref<!tpu.dma_semaphore, #tpu.memory_space<semaphore_mem>>)
      %dma_wait3A_57 = arith.constant 0 : i32
      %dma_wait3A_58 = tpu.memref_slice %arg18[%dma_wait3A_57] : memref<640xf32, #tpu.memory_space<vmem>> -> memref<632xf32, #tpu.memory_space<vmem>>
      %dma_wait3A_59 = tpu.memref_slice %arg8[%add3A_50] : memref<20224xf32, #tpu.memory_space<hbm>> -> memref<632xf32, #tpu.memory_space<hbm>>
      %dma_wait3A_60 = tpu.memref_slice %arg8[%add3A_50] : memref<20224xf32, #tpu.memory_space<hbm>> -> memref<632xf32, #tpu.memory_space<hbm>>
      %dma_wait3A_61 = arith.constant 0 : i32
      %dma_wait3A_62 = tpu.memref_slice %arg18[%dma_wait3A_61] : memref<640xf32, #tpu.memory_space<vmem>> -> memref<632xf32, #tpu.memory_space<vmem>>
      tpu.wait_dma2 semaphore(%run_scoped3A : memref<!tpu.dma_semaphore, #tpu.memory_space<semaphore_mem>>) src(%dma_wait3A_62 : memref<632xf32, #tpu.memory_space<vmem>>) dst(%dma_wait3A_60 : memref<632xf32, #tpu.memory_space<hbm>>)
      tpu.yield
    }) : () -> ()
    return
  }
}

module attributes {stable_mosaic.version = 14 : i64} {
  func.func @_matmul_body(%arg0: i32, %arg1: memref<1000x128xf32, #tpu.memory_space<vmem>>, %arg2: memref<128x128xf32, #tpu.memory_space<vmem>>, %arg3: memref<1000x128xf32, #tpu.memory_space<vmem>>) attributes {dimension_semantics = [#tpu.dimension_semantics<arbitrary>], iteration_bounds = array<i64: 10>, scalar_prefetch = 0 : i64, scratch_operands = 0 : i64, tpu.core_type = #tpu.core_type<tc>, window_params = [{transform_indices = @transform_0, window_bounds = array<i64: 1000, 128>}, {pipeline_mode = #tpu.pipeline_mode<synchronous>, transform_indices = @transform_1, window_bounds = array<i64: 128, 128>}, {transform_indices = @transform_2, window_bounds = array<i64: 1000, 128>}]} {
    %get3A = arith.constant 0 : index
    %get3A_0 = arith.constant 0 : index
    %get3A_1 = vector.load %arg1[%get3A, %get3A_0] : memref<1000x128xf32, #tpu.memory_space<vmem>>, vector<1000x128xf32>
    %get3A_2 = arith.constant 0 : index
    %get3A_3 = arith.constant 0 : index
    %get3A_4 = vector.load %arg2[%get3A_2, %get3A_3] : memref<128x128xf32, #tpu.memory_space<vmem>>, vector<128x128xf32>
    %dot_general3A = arith.constant dense<0.000000e+00> : vector<1000x128xf32>
    %dot_general3A_5 = tpu.matmul %get3A_1, %get3A_4, %dot_general3A {dimension_numbers = #tpu.dot_dimension_numbers<[1], [0], [0], [1], [0, 0, 1, 1], [], []>, transpose_lhs_hint = false} : vector<1000x128xf32>, vector<128x128xf32>, vector<1000x128xf32> -> vector<1000x128xf32>
    %swap3A = arith.constant 0 : index
    %swap3A_6 = arith.constant 0 : index
    %swap3A_7 = vector.load %arg3[%swap3A, %swap3A_6] : memref<1000x128xf32, #tpu.memory_space<vmem>>, vector<1000x128xf32>
    tpu.vector_store %arg3[%swap3A, %swap3A_6], %dot_general3A_5 {strides = array<i32>} : memref<1000x128xf32, #tpu.memory_space<vmem>>, vector<1000x128xf32>,
    return
  }
  func.func @transform_0(%arg0: i32) -> (i32, i32) {
    %c0_i32 = arith.constant 0 : i32
    %c0_i32_0 = arith.constant 0 : i32
    return %arg0, %c0_i32 : i32, i32
  }
  func.func @transform_1(%arg0: i32) -> (i32, i32) {
    %c0_i32 = arith.constant 0 : i32
    %c0_i32_0 = arith.constant 0 : i32
    %c0_i32_1 = arith.constant 0 : i32
    return %c0_i32, %c0_i32_0 : i32, i32
  }
  func.func @transform_2(%arg0: i32) -> (i32, i32) {
    %c0_i32 = arith.constant 0 : i32
    %c0_i32_0 = arith.constant 0 : i32
    return %arg0, %c0_i32 : i32, i32
  }
}

module attributes {stable_mosaic.version = 14 : i64} {
  func.func @_matmul_bias_body(%arg0: i32, %arg1: memref<512x16xf32, #tpu.memory_space<vmem>>, %arg2: memref<16x128xf32, #tpu.memory_space<vmem>>, %arg3: memref<1x128xf32, #tpu.memory_space<vmem>>, %arg4: memref<512x128xf32, #tpu.memory_space<vmem>>) attributes {dimension_semantics = [#tpu.dimension_semantics<arbitrary>], iteration_bounds = array<i64: 632>, scalar_prefetch = 0 : i64, scratch_operands = 0 : i64, tpu.core_type = #tpu.core_type<tc>, window_params = [{transform_indices = @transform_0, window_bounds = array<i64: 512, 16>}, {pipeline_mode = #tpu.pipeline_mode<synchronous>, transform_indices = @transform_1, window_bounds = array<i64: 16, 128>}, {pipeline_mode = #tpu.pipeline_mode<synchronous>, transform_indices = @transform_2, window_bounds = array<i64: 1, 128>}, {transform_indices = @transform_3, window_bounds = array<i64: 512, 128>}]} {
    %get3A = arith.constant 0 : index
    %get3A_0 = arith.constant 0 : index
    %get3A_1 = vector.load %arg1[%get3A, %get3A_0] : memref<512x16xf32, #tpu.memory_space<vmem>>, vector<512x16xf32>
    %get3A_2 = arith.constant 0 : index
    %get3A_3 = arith.constant 0 : index
    %get3A_4 = vector.load %arg2[%get3A_2, %get3A_3] : memref<16x128xf32, #tpu.memory_space<vmem>>, vector<16x128xf32>
    %dot_general3A = arith.constant dense<0.000000e+00> : vector<512x128xf32>
    %dot_general3A_5 = tpu.matmul %get3A_1, %get3A_4, %dot_general3A {dimension_numbers = #tpu.dot_dimension_numbers<[1], [0], [0], [1], [0, 0, 1, 1], [], []>, transpose_lhs_hint = false} : vector<512x16xf32>, vector<16x128xf32>, vector<512x128xf32> -> vector<512x128xf32>
    %get3A_6 = arith.constant 0 : index
    %get3A_7 = arith.constant 0 : index
    %get3A_8 = vector.load %arg3[%get3A_6, %get3A_7] : memref<1x128xf32, #tpu.memory_space<vmem>>, vector<1x128xf32>
    %add3A = vector.broadcast %get3A_8 : vector<1x128xf32> to vector<512x128xf32>
    %add3A_9 = arith.addf %dot_general3A_5, %add3A : vector<512x128xf32>
    %swap3A = arith.constant 0 : index
    %swap3A_10 = arith.constant 0 : index
    %swap3A_11 = vector.load %arg4[%swap3A, %swap3A_10] : memref<512x128xf32, #tpu.memory_space<vmem>>, vector<512x128xf32>
    tpu.vector_store %arg4[%swap3A, %swap3A_10], %add3A_9 {strides = array<i32>} : memref<512x128xf32, #tpu.memory_space<vmem>>, vector<512x128xf32>,
    return
  }
  func.func @transform_0(%arg0: i32) -> (i32, i32) {
    %c0_i32 = arith.constant 0 : i32
    %c0_i32_0 = arith.constant 0 : i32
    return %arg0, %c0_i32 : i32, i32
  }
  func.func @transform_1(%arg0: i32) -> (i32, i32) {
    %c0_i32 = arith.constant 0 : i32
    %c0_i32_0 = arith.constant 0 : i32
    %c0_i32_1 = arith.constant 0 : i32
    return %c0_i32, %c0_i32_0 : i32, i32
  }
  func.func @transform_2(%arg0: i32) -> (i32, i32) {
    %c0_i32 = arith.constant 0 : i32
    %c0_i32_0 = arith.constant 0 : i32
    %c0_i32_1 = arith.constant 0 : i32
    return %c0_i32, %c0_i32_0 : i32, i32
  }
  func.func @transform_3(%arg0: i32) -> (i32, i32) {
    %c0_i32 = arith.constant 0 : i32
    %c0_i32_0 = arith.constant 0 : i32
    return %arg0, %c0_i32 : i32, i32
  }
}

module attributes {stable_mosaic.version = 14 : i64} {
  func.func @_final_body(%arg0: i32, %arg1: memref<1000x128xf32, #tpu.memory_space<vmem>>, %arg2: memref<2x1000x128xf32, #tpu.memory_space<vmem>>, %arg3: memref<1x1x1000xf32, #tpu.memory_space<vmem>>, %arg4: memref<1x1x1000xf32, #tpu.memory_space<vmem>>, %arg5: memref<1x1x1000xi32, #tpu.memory_space<vmem>>, %arg6: memref<8x64xf32, #tpu.memory_space<vmem>>, %arg7: memref<128x128xf32, #tpu.memory_space<vmem>>, %arg8: memref<1x128xf32, #tpu.memory_space<vmem>>, %arg9: memref<128x128xf32, #tpu.memory_space<vmem>>, %arg10: memref<128x128xf32, #tpu.memory_space<vmem>>, %arg11: memref<64x128xf32, #tpu.memory_space<vmem>>, %arg12: memref<1x128xf32, #tpu.memory_space<vmem>>, %arg13: memref<128x128xf32, #tpu.memory_space<vmem>>, %arg14: memref<1x128xf32, #tpu.memory_space<vmem>>, %arg15: memref<1000x128xf32, #tpu.memory_space<vmem>>) attributes {dimension_semantics = [#tpu.dimension_semantics<arbitrary>], iteration_bounds = array<i64: 10>, scalar_prefetch = 0 : i64, scratch_operands = 0 : i64, tpu.core_type = #tpu.core_type<tc>, window_params = [{transform_indices = @transform_0, window_bounds = array<i64: 1000, 128>}, {transform_indices = @transform_1, window_bounds = array<i64: 2, 1000, 128>}, {transform_indices = @transform_2, window_bounds = array<i64: 1, 1, 1000>}, {transform_indices = @transform_3, window_bounds = array<i64: 1, 1, 1000>}, {transform_indices = @transform_4, window_bounds = array<i64: 1, 1, 1000>}, {pipeline_mode = #tpu.pipeline_mode<synchronous>, transform_indices = @transform_5, window_bounds = array<i64: 8, 64>}, {pipeline_mode = #tpu.pipeline_mode<synchronous>, transform_indices = @transform_6, window_bounds = array<i64: 128, 128>}, {pipeline_mode = #tpu.pipeline_mode<synchronous>, transform_indices = @transform_7, window_bounds = array<i64: 1, 128>}, {pipeline_mode = #tpu.pipeline_mode<synchronous>, transform_indices = @transform_8, window_bounds = array<i64: 128, 128>}, {pipeline_mode = #tpu.pipeline_mode<synchronous>, transform_indices = @transform_9, window_bounds = array<i64: 128, 128>}, {pipeline_mode = #tpu.pipeline_mode<synchronous>, transform_indices = @transform_10, window_bounds = array<i64: 64, 128>}, {pipeline_mode = #tpu.pipeline_mode<synchronous>, transform_indices = @transform_11, window_bounds = array<i64: 1, 128>}, {pipeline_mode = #tpu.pipeline_mode<synchronous>, transform_indices = @transform_12, window_bounds = array<i64: 128, 128>}, {pipeline_mode = #tpu.pipeline_mode<synchronous>, transform_indices = @transform_13, window_bounds = array<i64: 1, 128>}, {transform_indices = @transform_14, window_bounds = array<i64: 1000, 128>}]} {
    %get3A = arith.constant 0 : index
    %get3A_0 = arith.constant 0 : index
    %get3A_1 = arith.constant 0 : index
    %get3A_2 = vector.load %arg3[%get3A, %get3A_0, %get3A_1] : memref<1x1x1000xf32, #tpu.memory_space<vmem>>, vector<1x1x1000xf32>
    %get3A_3 = vector.shape_cast %get3A_2 : vector<1x1x1000xf32> to vector<1000xf32>
    %get3A_4 = arith.constant 0 : index
    %get3A_5 = arith.constant 0 : index
    %get3A_6 = arith.constant 0 : index
    %get3A_7 = vector.load %arg4[%get3A_4, %get3A_5, %get3A_6] : memref<1x1x1000xf32, #tpu.memory_space<vmem>>, vector<1x1x1000xf32>
    %get3A_8 = vector.shape_cast %get3A_7 : vector<1x1x1000xf32> to vector<1000xf32>
    %add3A = arith.addf %get3A_3, %get3A_8 : vector<1000xf32>
    %broadcast_in_dim3A = vector.shape_cast %add3A : vector<1000xf32> to vector<1000x1xf32>
    %get3A_9 = arith.constant 0 : index
    %get3A_10 = arith.constant 0 : index
    %get3A_11 = arith.constant 0 : index
    %get3A_12 = vector.load %arg2[%get3A_9, %get3A_10, %get3A_11] : memref<2x1000x128xf32, #tpu.memory_space<vmem>>, vector<1x1000x128xf32>
    %get3A_13 = vector.shape_cast %get3A_12 : vector<1x1000x128xf32> to vector<1000x128xf32>
    %get3A_14 = arith.constant 1 : index
    %get3A_15 = arith.constant 0 : index
    %get3A_16 = arith.constant 0 : index
    %get3A_17 = vector.load %arg2[%get3A_14, %get3A_15, %get3A_16] : memref<2x1000x128xf32, #tpu.memory_space<vmem>>, vector<1x1000x128xf32>
    %get3A_18 = vector.shape_cast %get3A_17 : vector<1x1000x128xf32> to vector<1000x128xf32>
    %add3A_19 = arith.addf %get3A_13, %get3A_18 : vector<1000x128xf32>
    %max3A = arith.constant 1.000000e+00 : f32
    %max3A_20 = vector.broadcast %max3A : f32 to vector<1000x1xf32>
    %max3A_21 = arith.maximumf %broadcast_in_dim3A, %max3A_20 : vector<1000x1xf32>
    %div3A = vector.broadcast %max3A_21 : vector<1000x1xf32> to vector<1000x128xf32>
    %div3A_22 = arith.divf %add3A_19, %div3A : vector<1000x128xf32>
    %gt3A = arith.constant 5.000000e-01 : f32
    %gt3A_23 = vector.broadcast %gt3A : f32 to vector<1000x1xf32>
    %gt3A_24 = arith.cmpf ogt, %broadcast_in_dim3A, %gt3A_23 : vector<1000x1xf32>
    %jit3A = arith.constant 1.000000e+00 : f32
    %jit3A_25 = arith.constant 0.000000e+00 : f32
    %broadcast_in_dim3A_26 = vector.broadcast %jit3A : f32 to vector<1000x1xf32>
    %broadcast_in_dim3A_27 = vector.broadcast %jit3A_25 : f32 to vector<1000x1xf32>
    %select_n3A = arith.select %gt3A_24, %broadcast_in_dim3A_26, %broadcast_in_dim3A_27 : vector<1000x1xi1>, vector<1000x1xf32>
    %get3A_28 = arith.constant 0 : index
    %get3A_29 = arith.constant 0 : index
    %get3A_30 = vector.load %arg7[%get3A_28, %get3A_29] : memref<128x128xf32, #tpu.memory_space<vmem>>, vector<128x128xf32>
    %dot_general3A = arith.constant dense<0.000000e+00> : vector<1000x128xf32>
    %dot_general3A_31 = tpu.matmul %div3A_22, %get3A_30, %dot_general3A {dimension_numbers = #tpu.dot_dimension_numbers<[1], [0], [0], [1], [0, 0, 1, 1], [], []>, transpose_lhs_hint = false} : vector<1000x128xf32>, vector<128x128xf32>, vector<1000x128xf32> -> vector<1000x128xf32>
    %get3A_32 = arith.constant 0 : index
    %get3A_33 = arith.constant 0 : index
    %get3A_34 = vector.load %arg8[%get3A_32, %get3A_33] : memref<1x128xf32, #tpu.memory_space<vmem>>, vector<1x128xf32>
    %mul3A = vector.broadcast %select_n3A : vector<1000x1xf32> to vector<1000x128xf32>
    %mul3A_35 = vector.broadcast %get3A_34 : vector<1x128xf32> to vector<1000x128xf32>
    %mul3A_36 = arith.mulf %mul3A, %mul3A_35 : vector<1000x128xf32>
    %add3A_37 = arith.addf %dot_general3A_31, %mul3A_36 : vector<1000x128xf32>
    %get3A_38 = arith.constant 0 : index
    %get3A_39 = arith.constant 0 : index
    %get3A_40 = arith.constant 0 : index
    %get3A_41 = vector.load %arg5[%get3A_38, %get3A_39, %get3A_40] : memref<1x1x1000xi32, #tpu.memory_space<vmem>>, vector<1x1x1000xi32>
    %get3A_42 = vector.shape_cast %get3A_41 : vector<1x1x1000xi32> to vector<1000xi32>
    %broadcast_in_dim3A_43 = vector.shape_cast %get3A_42 : vector<1000xi32> to vector<1000x1xi32>
    %iota3A = tpu.iota {dimensions = array<i32: 1>} : vector<1x8xi32>
    %eq3A = vector.broadcast %broadcast_in_dim3A_43 : vector<1000x1xi32> to vector<1000x8xi32>
    %eq3A_44 = vector.broadcast %iota3A : vector<1x8xi32> to vector<1000x8xi32>
    %eq3A_45 = arith.cmpi eq, %eq3A, %eq3A_44 : vector<1000x8xi32>
    %convert_element_type3A = arith.extui %eq3A_45 : vector<1000x8xi1> to vector<1000x8xi32>
    %convert_element_type3A_46 = arith.sitofp %convert_element_type3A : vector<1000x8xi32> to vector<1000x8xf32>
    %get3A_47 = arith.constant 0 : index
    %get3A_48 = arith.constant 0 : index
    %get3A_49 = vector.load %arg6[%get3A_47, %get3A_48] : memref<8x64xf32, #tpu.memory_space<vmem>>, vector<8x64xf32>
    %dot_general3A_50 = arith.constant dense<0.000000e+00> : vector<1000x64xf32>
    %dot_general3A_51 = tpu.matmul %convert_element_type3A_46, %get3A_49, %dot_general3A_50 {dimension_numbers = #tpu.dot_dimension_numbers<[1], [0], [0], [1], [0, 0, 1, 1], [], []>, transpose_lhs_hint = false} : vector<1000x8xf32>, vector<8x64xf32>, vector<1000x64xf32> -> vector<1000x64xf32>
    %get3A_52 = arith.constant 0 : index
    %get3A_53 = arith.constant 0 : index
    %get3A_54 = vector.load %arg1[%get3A_52, %get3A_53] : memref<1000x128xf32, #tpu.memory_space<vmem>>, vector<1000x128xf32>
    %get3A_55 = arith.constant 0 : index
    %get3A_56 = arith.constant 0 : index
    %get3A_57 = vector.load %arg9[%get3A_55, %get3A_56] : memref<128x128xf32, #tpu.memory_space<vmem>>, vector<128x128xf32>
    %dot_general3A_58 = arith.constant dense<0.000000e+00> : vector<1000x128xf32>
    %dot_general3A_59 = tpu.matmul %get3A_54, %get3A_57, %dot_general3A_58 {dimension_numbers = #tpu.dot_dimension_numbers<[1], [0], [0], [1], [0, 0, 1, 1], [], []>, transpose_lhs_hint = false} : vector<1000x128xf32>, vector<128x128xf32>, vector<1000x128xf32> -> vector<1000x128xf32>
    %get3A_60 = arith.constant 0 : index
    %get3A_61 = arith.constant 0 : index
    %get3A_62 = vector.load %arg10[%get3A_60, %get3A_61] : memref<128x128xf32, #tpu.memory_space<vmem>>, vector<128x128xf32>
    %dot_general3A_63 = arith.constant dense<0.000000e+00> : vector<1000x128xf32>
    %dot_general3A_64 = tpu.matmul %add3A_37, %get3A_62, %dot_general3A_63 {dimension_numbers = #tpu.dot_dimension_numbers<[1], [0], [0], [1], [0, 0, 1, 1], [], []>, transpose_lhs_hint = false} : vector<1000x128xf32>, vector<128x128xf32>, vector<1000x128xf32> -> vector<1000x128xf32>
    %add3A_65 = arith.addf %dot_general3A_59, %dot_general3A_64 : vector<1000x128xf32>
    %get3A_66 = arith.constant 0 : index
    %get3A_67 = arith.constant 0 : index
    %get3A_68 = vector.load %arg11[%get3A_66, %get3A_67] : memref<64x128xf32, #tpu.memory_space<vmem>>, vector<64x128xf32>
    %dot_general3A_69 = arith.constant dense<0.000000e+00> : vector<1000x128xf32>
    %dot_general3A_70 = tpu.matmul %dot_general3A_51, %get3A_68, %dot_general3A_69 {dimension_numbers = #tpu.dot_dimension_numbers<[1], [0], [0], [1], [0, 0, 1, 1], [], []>, transpose_lhs_hint = false} : vector<1000x64xf32>, vector<64x128xf32>, vector<1000x128xf32> -> vector<1000x128xf32>
    %add3A_71 = arith.addf %add3A_65, %dot_general3A_70 : vector<1000x128xf32>
    %get3A_72 = arith.constant 0 : index
    %get3A_73 = arith.constant 0 : index
    %get3A_74 = vector.load %arg12[%get3A_72, %get3A_73] : memref<1x128xf32, #tpu.memory_space<vmem>>, vector<1x128xf32>
    %add3A_75 = vector.broadcast %get3A_74 : vector<1x128xf32> to vector<1000x128xf32>
    %add3A_76 = arith.addf %add3A_71, %add3A_75 : vector<1000x128xf32>
    %max3A_77 = arith.constant 0.000000e+00 : f32
    %max3A_78 = vector.broadcast %max3A_77 : f32 to vector<1000x128xf32>
    %max3A_79 = arith.maximumf %add3A_76, %max3A_78 : vector<1000x128xf32>
    %get3A_80 = arith.constant 0 : index
    %get3A_81 = arith.constant 0 : index
    %get3A_82 = vector.load %arg13[%get3A_80, %get3A_81] : memref<128x128xf32, #tpu.memory_space<vmem>>, vector<128x128xf32>
    %dot_general3A_83 = arith.constant dense<0.000000e+00> : vector<1000x128xf32>
    %dot_general3A_84 = tpu.matmul %max3A_79, %get3A_82, %dot_general3A_83 {dimension_numbers = #tpu.dot_dimension_numbers<[1], [0], [0], [1], [0, 0, 1, 1], [], []>, transpose_lhs_hint = false} : vector<1000x128xf32>, vector<128x128xf32>, vector<1000x128xf32> -> vector<1000x128xf32>
    %get3A_85 = arith.constant 0 : index
    %get3A_86 = arith.constant 0 : index
    %get3A_87 = vector.load %arg14[%get3A_85, %get3A_86] : memref<1x128xf32, #tpu.memory_space<vmem>>, vector<1x128xf32>
    %add3A_88 = vector.broadcast %get3A_87 : vector<1x128xf32> to vector<1000x128xf32>
    %add3A_89 = arith.addf %dot_general3A_84, %add3A_88 : vector<1000x128xf32>
    %swap3A = arith.constant 0 : index
    %swap3A_90 = arith.constant 0 : index
    %swap3A_91 = vector.load %arg15[%swap3A, %swap3A_90] : memref<1000x128xf32, #tpu.memory_space<vmem>>, vector<1000x128xf32>
    tpu.vector_store %arg15[%swap3A, %swap3A_90], %add3A_89 {strides = array<i32>} : memref<1000x128xf32, #tpu.memory_space<vmem>>, vector<1000x128xf32>,
    return
  }
  func.func @transform_0(%arg0: i32) -> (i32, i32) {
    %c0_i32 = arith.constant 0 : i32
    %c0_i32_0 = arith.constant 0 : i32
    return %arg0, %c0_i32 : i32, i32
  }
  func.func @transform_1(%arg0: i32) -> (i32, i32, i32) {
    %c0_i32 = arith.constant 0 : i32
    %c0_i32_0 = arith.constant 0 : i32
    %c0_i32_1 = arith.constant 0 : i32
    return %c0_i32, %arg0, %c0_i32_0 : i32, i32, i32
  }
  func.func @transform_2(%arg0: i32) -> (i32, i32, i32) {
    %c0_i32 = arith.constant 0 : i32
    %c0_i32_0 = arith.constant 0 : i32
    %c0_i32_1 = arith.constant 0 : i32
    return %arg0, %c0_i32, %c0_i32_0 : i32, i32, i32
  }
  func.func @transform_3(%arg0: i32) -> (i32, i32, i32) {
    %c0_i32 = arith.constant 0 : i32
    %c0_i32_0 = arith.constant 0 : i32
    %c0_i32_1 = arith.constant 0 : i32
    return %arg0, %c0_i32, %c0_i32_0 : i32, i32, i32
  }
  func.func @transform_4(%arg0: i32) -> (i32, i32, i32) {
    %c0_i32 = arith.constant 0 : i32
    %c0_i32_0 = arith.constant 0 : i32
    %c0_i32_1 = arith.constant 0 : i32
    return %arg0, %c0_i32, %c0_i32_0 : i32, i32, i32
  }
  func.func @transform_5(%arg0: i32) -> (i32, i32) {
    %c0_i32 = arith.constant 0 : i32
    %c0_i32_0 = arith.constant 0 : i32
    %c0_i32_1 = arith.constant 0 : i32
    return %c0_i32, %c0_i32_0 : i32, i32
  }
  func.func @transform_6(%arg0: i32) -> (i32, i32) {
    %c0_i32 = arith.constant 0 : i32
    %c0_i32_0 = arith.constant 0 : i32
    %c0_i32_1 = arith.constant 0 : i32
    return %c0_i32, %c0_i32_0 : i32, i32
  }
  func.func @transform_7(%arg0: i32) -> (i32, i32) {
    %c0_i32 = arith.constant 0 : i32
    %c0_i32_0 = arith.constant 0 : i32
    %c0_i32_1 = arith.constant 0 : i32
    return %c0_i32, %c0_i32_0 : i32, i32
  }
  func.func @transform_8(%arg0: i32) -> (i32, i32) {
    %c0_i32 = arith.constant 0 : i32
    %c0_i32_0 = arith.constant 0 : i32
    %c0_i32_1 = arith.constant 0 : i32
    return %c0_i32, %c0_i32_0 : i32, i32
  }
  func.func @transform_9(%arg0: i32) -> (i32, i32) {
    %c0_i32 = arith.constant 0 : i32
    %c0_i32_0 = arith.constant 0 : i32
    %c0_i32_1 = arith.constant 0 : i32
    return %c0_i32, %c0_i32_0 : i32, i32
  }
  func.func @transform_10(%arg0: i32) -> (i32, i32) {
    %c0_i32 = arith.constant 0 : i32
    %c0_i32_0 = arith.constant 0 : i32
    %c0_i32_1 = arith.constant 0 : i32
    return %c0_i32, %c0_i32_0 : i32, i32
  }
  func.func @transform_11(%arg0: i32) -> (i32, i32) {
    %c0_i32 = arith.constant 0 : i32
    %c0_i32_0 = arith.constant 0 : i32
    %c0_i32_1 = arith.constant 0 : i32
    return %c0_i32, %c0_i32_0 : i32, i32
  }
  func.func @transform_12(%arg0: i32) -> (i32, i32) {
    %c0_i32 = arith.constant 0 : i32
    %c0_i32_0 = arith.constant 0 : i32
    %c0_i32_1 = arith.constant 0 : i32
    return %c0_i32, %c0_i32_0 : i32, i32
  }
  func.func @transform_13(%arg0: i32) -> (i32, i32) {
    %c0_i32 = arith.constant 0 : i32
    %c0_i32_0 = arith.constant 0 : i32
    %c0_i32_1 = arith.constant 0 : i32
    return %c0_i32, %c0_i32_0 : i32, i32
  }
  func.func @transform_14(%arg0: i32) -> (i32, i32) {
    %c0_i32 = arith.constant 0 : i32
    %c0_i32_0 = arith.constant 0 : i32
    return %arg0, %c0_i32 : i32, i32
  }
}

</mosaic_0001>

<sc_bundles>
// kernel: kernel.6.cloned.1.call-start
scs
__scs_entry_jumppad:
0x0: {  	(pc) =	sbr.rel $0x88, $3  }
0x1: {  	(tag) =	ssettag $0x0;
	lr =	simm.s32 $0x1  }
0x2: {  	[smem:$0x3F94] =	sst lr;
	_ =	strace $0xD0000000  }
0x3: {  	_ = 	snop  }
0x4: {  	_ = 	snop  }
0x5: {  	_ = 	snop  }
0x6: {  	_ = 	snop  }
0x7: {  	_ = 	snop  }
__scs_overlays_trampoline_lowered:
0x8: {  	[smem:$0x3FA3] =	sst s0  }
0x9: {  	[smem:$0x3FA4] =	sst s1  }
0xa: {  	[smem:$0x3FA5] =	sst s2  }
0xb: {  	[smem:$0x3FA6] =	sst s3  }
0xc: {  	[smem:$0x3FA7] =	sst s4  }
0xd: {  	[smem:$0x3FA8] =	sst s5  }
0xe: {  	[smem:$0x3FA9] =	sst s6  }
0xf: {  	[smem:$0x3FAA] =	sst s7  }
0x10: {  	[smem:$0x3FAB] =	sst s8  }
0x11: {  	[smem:$0x3FAC] =	sst s9;
	s0 =	simm.s32 @!p0 $0x0  }
0x12: {  	s1 =	sld [smem:$0x3F92];
	s0 =	simm.s32 @p0 $0x1  }
0x13: {  	[smem:$0x3FAD] =	sst s0;
	s0 =	simm.s32 @!p1 $0x0  }
0x14: {  	s2 =	sld [smem:$0x3F91];
	s0 =	simm.s32 @p1 $0x1  }
0x15: {  	[smem:$0x3FAE] =	sst s0;
	s0 =	simm.s32 @!p2 $0x0  }
0x16: {  	s3 =	sld [smem:$0x3FDB];
	s0 =	simm.s32 @p2 $0x1  }
0x17: {  	s4 =	simm.s32 $0x1BF5;
	[smem:$0x3FB0] =	sst s0  }
0x18: {  	s0 =	sld [smem:$0x3F93];
	_ =	swait.ge [sflag:s4], $0x0  }
0x19: {  	s7 =	sld [smem:$0x3F94]  }
0x1a: {  	s8 =	sadd.s32 $0xFFFFE003, lr  }
0x1b: {  	s9 =	sadd.s32 $0xFFFFFEF7, lr;
	s5 =	simm.s32 $0xFFFFFFFF;
	p2 =	slt.u32 s8, $0xFFFFF086  }
0x1c: {  	p1 =	slt.u32 s9, $0xF7A;
	s5 =	simm.s32 @!p2 $0x0  }
0x1d: {  	s5 =	simm.s32 @p1 $0x1;
	p0 =	seq.s32 s7, s2  }
0x1e: {  	s7 =	smul.u32 @!p0 $0xF7A, s2;
	p2 =	seq.s32 @!p0 s5, $0x0  }
0x1f: {  	s9 =	smul.u32 $0xF7A, s1;
	s8 =	simm.s32 @!p0 $0x1BF5;
	p2 =	por !p2, p0  }
0x20: {  	[sflag:s8] =	ssyncset.s32 @!p0 $0xFFFFF086;
	s6 =	sadd.s32 @!p0 s3, s7;
	s7 =	simm.s32 @!p0 $0x108  }
0x21: {  	s3 =	sadd.s32 s3, s9;
	s6 =	sadd.s32 @!p0 $0x88, s6;
	s7 =	simm.s32 @p2 $0x1082  }
0x22: {  	[simem:s7], [sflag:s8] =	dma.local @!p0 [hbm:s6], $0xF7A  }
0x23: {  	s9 =	sor.u32 $0xD0000000, s2;
	s6 =	simm.s32 $0x108;
	_ =	swait.ge @!p0 [sflag:s8], $0x0  }
0x24: {  	s3 =	sadd.s32 $0x88, s3;
	s6 =	simm.s32 @!p1 $0x1082;
	[sflag:s4] =	ssyncset.s32 $0xFFFFF086  }
0x25: {  	[simem:s6], [sflag:s4] =	dma.local [hbm:s3], $0xF7A  }
0x26: {  	[smem:$0x3F94] =	sst s1;
	(tag) =	ssettag s2;
	_ =	strace s9  }
0x27: {  	s1 =	sld [smem:$0x3FA4]  }
0x28: {  	s2 =	sld [smem:$0x3FA5]  }
0x29: {  	s4 =	sld [smem:$0x3FA7]  }
0x2a: {  	p0 =	seq.s32 s5, $0x0;
	s5 =	sld [smem:$0x3FA8]  }
0x2b: {  	s6 =	sld [smem:$0x3FA9]  }
0x2c: {  	s7 =	sld [smem:$0x3FAA]  }
0x2d: {  	s3 =	simm.s32 $0x108;
	s8 =	sld [smem:$0x3FAB]  }
0x2e: {  	s3 =	simm.s32 @!p0 $0x1082;
	s9 =	sld [smem:$0x3FAC]  }
0x2f: {  	lr =	sadd.s32 s0, s3;
	s0 =	sld [smem:$0x3FA3]  }
0x30: {  	s3 =	sld [smem:$0x3FA6]  }
0x31: {  	[smem:$0x3FAF] =	sst s10  }
0x32: {  	s10 =	sld [smem:$0x3FAD];
	_ =	sdelay $0x3  }
0x33: {  	p0 =	seq.s32 s10, $0x1;
	s10 =	sld [smem:$0x3FAF];
	_ =	sdelay $0x3  }
0x34: {  	[smem:$0x3FAF] =	sst s10  }
0x35: {  	s10 =	sld [smem:$0x3FAE];
	_ =	sdelay $0x3  }
0x36: {  	p1 =	seq.s32 s10, $0x1;
	s10 =	sld [smem:$0x3FAF];
	_ =	sdelay $0x3  }
0x37: {  	[smem:$0x3FAF] =	sst s10  }
0x38: {  	s10 =	sld [smem:$0x3FB0]  }
0x39: {  	_ = 	snop;
	(pc) =	sbr.ind lr, $3  }
0x3a: {  	_ = 	snop  }
0x3b: {  	_ = 	snop  }
0x3c: {  	p2 =	seq.s32 s10, $0x1;
	s10 =	sld [smem:$0x3FAF]  }
0x3d: {  	_ =	shalt  }
0x3e: {  	_ =	shalt  }
0x3f: {  	_ =	shalt  }
0x40: {  	_ =	shalt  }
0x41: {  	_ =	shalt  }
0x42: {  	_ =	shalt  }
0x43: {  	_ =	shalt  }
0x44: {  	_ =	shalt  }
0x45: {  	_ =	shalt  }
0x46: {  	_ =	shalt  }
0x47: {  	_ =	shalt  }
0x48: {  	_ =	shalt  }
0x49: {  	_ =	shalt  }
0x4a: {  	_ =	shalt  }
0x4b: {  	_ =	shalt  }
0x4c: {  	_ =	shalt  }
0x4d: {  	_ =	shalt  }
0x4e: {  	_ =	shalt  }
0x4f: {  	_ =	shalt  }
0x50: {  	_ =	shalt  }
0x51: {  	_ =	shalt  }
0x52: {  	_ =	shalt  }
0x53: {  	_ =	shalt  }
0x54: {  	_ =	shalt  }
0x55: {  	_ =	shalt  }
0x56: {  	_ =	shalt  }
0x57: {  	_ =	shalt  }
0x58: {  	_ =	shalt  }
0x59: {  	_ =	shalt  }
0x5a: {  	_ =	shalt  }
0x5b: {  	_ =	shalt  }
0x5c: {  	_ =	shalt  }
0x5d: {  	_ =	shalt  }
0x5e: {  	_ =	shalt  }
0x5f: {  	_ =	shalt  }
0x60: {  	_ =	shalt  }
0x61: {  	_ =	shalt  }
0x62: {  	_ =	shalt  }
0x63: {  	_ =	shalt  }
0x64: {  	_ =	shalt  }
0x65: {  	_ =	shalt  }
0x66: {  	_ =	shalt  }
0x67: {  	_ =	shalt  }
0x68: {  	_ =	shalt  }
0x69: {  	_ =	shalt  }
0x6a: {  	_ =	shalt  }
0x6b: {  	_ =	shalt  }
0x6c: {  	_ =	shalt  }
0x6d: {  	_ =	shalt  }
0x6e: {  	_ =	shalt  }
0x6f: {  	_ =	shalt  }
0x70: {  	_ =	shalt  }
0x71: {  	_ =	shalt  }
0x72: {  	_ =	shalt  }
0x73: {  	_ =	shalt  }
0x74: {  	_ =	shalt  }
0x75: {  	_ =	shalt  }
0x76: {  	_ =	shalt  }
0x77: {  	_ =	shalt  }
0x78: {  	_ =	shalt  }
0x79: {  	_ =	shalt  }
0x7a: {  	_ =	shalt  }
0x7b: {  	_ =	shalt  }
0x7c: {  	_ =	shalt  }
0x7d: {  	_ =	shalt  }
0x7e: {  	_ =	shalt  }
0x7f: {  	_ =	shalt  }
0x80: {  	_ =	shalt  }
0x81: {  	_ =	shalt  }
0x82: {  	_ =	shalt  }
0x83: {  	_ =	shalt  }
0x84: {  	_ =	shalt  }
0x85: {  	_ =	shalt  }
0x86: {  	_ =	shalt  }
0x87: {  	_ =	shalt  }
.Lfunc_end0:
.L_simem_size_0:
called_computation_lowered:
.L_overlay_start_0:
0x88: {  	s2 =	sld [smem:$0x3FD9]  }
0x89: {  	s3 =	sld [smem:$0x3FFE];
	_ =	sdelay $0x1  }
0x8a: {  	s1 =	srdreg.scid  }
0x8b: {  	s0 =	sand.u32 $0x1, s1  }
0x8c: {  	s17 =	sshll.u32 s0, $0xA;
	s2 =	sadd.s32 s3, s2  }
0x8d: {  	s2 =	sadd.s32 s2, s17  }
0x8e: {  	[smem:$0x3FBB] =	sst s2  }
0x8f: {  	_ = 	snop  }
0x90: {  	s2 =	sld [smem:$0x3FD0];
	(tm) =	ssettm $0x1  }
0x91: {  	s18 =	sld [smem:$0x3FFB];
	_ =	sdelay $0x3  }
0x92: {  	_ =	strace s18  }
0x93: {  	s3 =	sld [smem:$0x3FFC];
	_ =	sdelay $0x3  }
0x94: {  	_ =	strace s3  }
0x95: {  	s3 =	sld [smem:$0x3FFD];
	_ =	sdelay $0x3  }
0x96: {  	_ =	strace s3  }
0x97: {  	_ =	strace $0x8FFFFFFF  }
0x98: {  	s19 =	sld [smem:$0x3FDB];
	_ =	sdelay $0x1  }
0x99: {  	s4 =	simm.s32 $_scs_section_size  }
0x9a: {  	s5 =	simm.s32 $_size__tile_overlayer_lowered;
	s6 =	simm.s32 $_tile_overlayer_lowered  }
0x9b: {  	s22 =	simm.s32 $0x1BFF;
	s21 =	sshll.u32 s6, $0x1;
	s3 =	sadd.s32 s4, s19  }
0x9c: {  	s7 =	simm.s32 $0x0;
	s20 =	sshll.u32 s5, $0x1;
	s5 =	sadd.s32 s21, s3  }
0x9d: {  	[timem:s7], [sflag:s22] =	dma.local [hbm:s5], s20  }
0x9e: {  	_ =	swait.ge [sflag:s22], s20  }
0x9f: {  	s4 =	ssub.s32 $0x0, s20;
	[sflag:s22] =	ssyncset.done $0x0  }
0xa0: {  	[sflag:s22] =	ssyncadd.s32 s4;
	_ =	sdelay $0x1  }
0xa1: {  	s23 =	simm.s32 $0x1B8B  }
0xa2: {  	_ =	swait.ge [sflag:s23], $0x1  }
0xa3: {  	[sflag:s23] =	ssyncset.done $0x0  }
0xa4: {  	s25 =	simm.s32 $0x1B8E;
	s24 =	sld [smem:$0x3FFE];
	[sflag:s23] =	ssyncadd.s32 $0xFFFFFFFF  }
0xa5: {  	s26 =	simm.s32 $execute0_lowered;
	[smem:$0x3FD2] =	sst s25  }
0xa6: {  	s5 =	sshll.u32 s26, $0x1;
	_ =	strace $0x80000046;
	[dreg:$0x1] =	wrdreg $0xFFFFFFFF  }
0xa7: {  	s28 =	simm.s32 $_size_execute0_lowered;
	s3 =	sadd.s32 s3, s5;
	[dreg:$0x0] =	wrdreg $0x0  }
0xa8: {  	s5 =	sshll.u32 s28, $0x1;
	[dreg:$0x2] =	wrdreg s3  }
0xa9: {  	[dreg:$0x3] =	wrdreg s5  }
0xaa: {  	[dreg:$0x4] =	wrdreg $0xC0  }
0xab: {  	_ =	task [dreg:s7], $0x5FFFF  }
0xac: {  	[dreg:$0x1] =	wrdreg $0xFFFFFFFF  }
0xad: {  	[dreg:$0x0] =	wrdreg $0x60  }
0xae: {  	[dreg:$0x2] =	wrdreg s2  }
0xaf: {  	[dreg:$0x3] =	wrdreg s24  }
0xb0: {  	[dreg:$0x4] =	wrdreg $0x85000  }
0xb1: {  	[dreg:$0x5] =	wrdreg $0x1C1000  }
0xb2: {  	[dreg:$0x6] =	wrdreg $0x9  }
0xb3: {  	_ =	task.clear_ibuf [dreg:s7], $0x7FFFF;
	_ =	strace $0x90000046  }
0xb4: {  	s29 =	simm.s32 $0x9;
	_ =	strace $0x80000048  }
0xb5: {  	_ =	swait.ge [sflag:s29], $0x1  }
0xb6: {  	[sflag:s29] =	ssyncadd.s32 $0xFFFFFFFF  }
0xb7: {  	_ =	strace $0x90000048  }
0xb8: {  	_ =	sfence  }
0xb9: {  	s30 =	sld [smem:$0x0];
	_ =	sdelay $0x2  }
0xba: {  	s31 =	sshll.u32 s1, $0xD;
	s1 =	sshrl.u32 s1, $0x2  }
0xbb: {  	s3 =	sand.u32 $0x4000, s31;
	s1 =	sadd.s32 s1, s30  }
0xbc: {  	s0 =	sor.u32 s3, s0;
	s1 =	sshll.u32 s1, $0x11  }
0xbd: {  	s0 =	sor.u32 s1, s0  }
0xbe: {  	s0 =	sadd.s32 $0x8F2B, s0  }
0xbf: {  	[sflag:s0] =	ssyncadd.remote.s32 $0x1  }
0xc0: {  	_ =	sfence.sel $0xFFFF  }
0xc1: {  	[dreg:$0x0] =	wrdreg $0xFFFFFFFF;
	(pc) =	sbr.abs _section_cstart, $3  }
0xc2: {  	[dreg:$0x1] =	wrdreg $0xFFFFFFFF  }
0xc3: {  	_ =	task.clear_ibuf [dreg:s7], $0x2FFFF;
	_ =	strace $0x9FFFFFFF  }
0xc4: {  	(tm) =	ssettm $0x7FFFFFFF  }
0xc5: {  	_ =	shalt  }
tec
execute0_lowered:
.L_overlay_start_1:
0x0: {  	(tag) =	ssettag $0x1  }
0x1: {  	s0 =	rddreg [dreg:$0x1]  }
0x2: {  	s3 =	rddreg [dreg:$0x2]  }
0x3: {  	s1 =	stileid.u32;
	s2 =	srdreg.scid  }
0x4: {  	s4 =	rddreg [dreg:$0x3];
	s5 =	simm.s32 $0x0;
	s28 =	simm.s32 $0x200  }
0x5: {  	s29 =	simm.s32 $0x5;
	s30 =	simm.s32 $0x7;
	s9 =	smul.u32 $0x13C00, s1  }
0x6: {  	s31 =	simm.s32 $0x3;
	s2 =	sand.u32 $0x1, s2;
	s11 =	smul.u32 $0x278, s1  }
0x7: {  	[smem:$0x7FF] =	sst s5;
	s7 =	sadd.s32 $0x4E4400, s0;
	s14 =	smul.u32 $0x4F000, s1  }
0x8: {  	s6 =	sadd.s32 $0x9E8000, s0;
	s8 =	sadd.s32 $0x4EE200, s0;
	s10 =	smul.u32 $0x13C000, s2  }
0x9: {  	s18 =	sshll.u32 s1, $0x6;
	_ =	strace $0x80000047;
	s12 =	smul.u32 $0x2780, s2  }
0xa: {  	s16 =	ssub.s32 $0x2, s2;
	s2 =	sshll.u32 s2, $0x4;
	s20 =	sor.u32 $0x1C0D, s18  }
0xb: {  	s18 =	simm.s32 $0x8;
	s17 =	sshrl.u32 s16, $0x1;
	s2 =	sor.u32 s1, s2  }
0xc: {  	s14 =	sshrl.u32 s14, $0x2;
	s21 =	sadd.s32 s11, s4;
	s1 =	simm.s32 $0x0  }
0xd: {  	[dreg:$0x6] =	wrdreg s20;
	s10 =	sadd.s32 s9, s10;
	s9 =	sshrl.u32 s9, $0x3  }
0xe: {  	s12 =	sadd.s32 s11, s12;
	s14 =	sadd.s32 s14, s3;
	[dreg:$0xf] =	wrdreg s1  }
0xf: {  	s11 =	simm.s32 $0xB;
	[dreg:$0x7] =	wrdreg s21;
	s10 =	sshrl.u32 s10, $0x3  }
0x10: {  	s13 =	sadd.s32 s9, s0;
	s15 =	sshrl.u32 s12, $0x3;
	s9 =	smul.u32 $0x2780, s2  }
0x11: {  	s12 =	ssub.s32 s16, s17;
	s2 =	smul.u32 $0x27800, s2;
	s17 =	simm.s32 $0x6  }
0x12: {  	s10 =	sadd.s32 s10, s0;
	s0 =	sadd.s32 s15, s0;
	s13 =	sadd.s32 $0x2400, s13  }
0x13: {  	s26 =	smax.u32 s12, $0x1;
	s12 =	sshrl.u32 s14, $0x3;
	s14 =	simm.s32 $0x2  }
0x14: {  	s15 =	simm.s32 $0x2200;
	[dreg:$0x5] =	wrdreg s13;
	s19 =	sshrl.u32 s9, $0x3  }
0x15: {  	s24 =	sadd.s32 s6, s2;
	s16 =	sadd.s32 $0x80, s9;
	s25 =	sadd.s32 $0x2A600, s10  }
0x16: {  	s0 =	sadd.s32 $0x29C00, s0;
	[dreg:$0xd] =	wrdreg s26;
	s13 =	simm.s32 $0xD  }
0x17: {  	s26 =	simm.s32 $0x40;
	s2 =	simm.s32 $0x8200;
	[dreg:$0xe] =	wrdreg s12  }
.Ltmp0:
0x18: {  	s10 =	simm.s32 $0x180;
	[dreg:$0xa] =	wrdreg s24;
	(pc) =	sbr.rel .LBB2_1-.Ltmp0, $4  }
0x19: {  	s22 =	sadd.s32 s7, s19;
	s23 =	sadd.s32 s8, s19;
	[dreg:$0xb] =	wrdreg s25  }
0x1a: {  	[dreg:$0xc] =	wrdreg s0;
	s24 =	simm.s32 $0x8280;
	s25 =	simm.s32 $0x1  }
0x1b: {  	s0 =	simm.s32 $0x80;
	s19 =	simm.s32 $0x4;
	[dreg:$0x8] =	wrdreg s22  }
0x1c: {  	v0 =	vimm.f32 $1.000000000e+00;
	v1 =	vimm.f32 $0.0e+00;
	[dreg:$0x9] =	wrdreg s23;
	s23 =	simm.s32 $0x100;
	s22 =	simm.s32 $0x9  }
.LBB2_8:
0x1d: {  	s1 =	simm.s32 $0xA  }
0x1e: {  	_ =	swait.ge [sflag:s1], $0x2000  }
0x1f: {  	[sflag:s1] =	ssyncset.done $0x0  }
0x20: {  	s21 =	simm.s32 $0xC;
	[sflag:s1] =	ssyncadd.s32 $0xFFFFE000  }
0x21: {  	_ =	swait.ge [sflag:s21], $0x40  }
0x22: {  	[sflag:s21] =	ssyncset.done $0x0  }
0x23: {  	[sflag:s21] =	ssyncadd.s32 $0xFFFFFFC0  }
0x24: {  	[bflag:$0x0] =	sbarrier.arrive $0xFFFF  }
0x25: {  	s20 =	rddreg [dreg:$0x6]  }
0x26: {  	s24 =	rddreg [dreg:$0xb]  }
0x27: {  	s13 =	simm.s32 $0xD;
	s12 =	rddreg [dreg:$0xe]  }
0x28: {  	[hbm:s24], [sflag:s20] =	dma.local [spmem:s12], $0x2780  }
0x29: {  	_ =	swait.ge [sflag:s13], $0x2780  }
0x2a: {  	[sflag:s13] =	ssyncset.done $0x0  }
0x2b: {  	s21 =	simm.s32 $0x8280;
	s24 =	rddreg [dreg:$0x7];
	[sflag:s13] =	ssyncadd.s32 $0xFFFFD880  }
0x2c: {  	[tilespmem:s21], [sflag:$0xD] =	stream.linear.gather [spmem:s24], $0x278, $0x38;
	[tilespmem:$0x1C378] =	vst v63  }
0x2d: {  	_ =	swait.ge [sflag:s13], $0x278  }
0x2e: {  	[sflag:s13] =	ssyncset.done $0x0  }
0x2f: {  	s1 =	rddreg [dreg:$0xc];
	[sflag:s13] =	ssyncadd.s32 $0xFFFFFD88  }
0x30: {  	[hbm4b:s1+s5] =	stream.linear.scatter [tilespmem:s21], [sflag:$0xD], $0x278, $0x38;
	[tilespmem:$0x1C378] =	vst v63  }
0x31: {  	_ =	swait.ge [sflag:s13], $0x278  }
0x32: {  	s1 =	rddreg [dreg:$0xf]  }
0x33: {  	s21 =	sadd.s32 $0x1, s1;
	s1 =	rddreg [dreg:$0xd]  }
0x34: {  	p0 =	sne.s32 s21, s1  }
.Ltmp1:
0x35: {  	_ = 	snop;
	(pc) =	sbr.rel @!p0 .LBB2_9-.Ltmp1, $4  }
0x36: {  	_ = 	snop  }
0x37: {  	[sflag:s13] =	ssyncset.done $0x0  }
0x38: {  	[sflag:s13] =	ssyncadd.s32 $0xFFFFFD88  }
0x39: {  	[dreg:$0xf] =	wrdreg s21;
	s21 =	smov.u32 s24;
	s24 =	simm.s32 $0x8280  }
.LBB2_1:
0x3a: {  	s1 =	rddreg [dreg:$0x5]  }
0x3b: {  	[spmem:s12], [sflag:s20] =	dma.local [hbm:s1], $0x2780  }
0x3c: {  	_ =	swait.ge [sflag:s13], $0x2780  }
0x3d: {  	[sflag:s13] =	ssyncset.done $0x0  }
0x3e: {  	[sflag:s13] =	ssyncadd.s32 $0xFFFFD880  }
0x3f: {  	[tilespmem:$0x8200] =	vst v0  }
0x40: {  	[tilespmem:$0x8210] =	vst v0  }
0x41: {  	[tilespmem:$0x8220] =	vst v0  }
0x42: {  	[tilespmem:$0x8230] =	vst v0  }
0x43: {  	[tilespmem:$0x8280] =	vst v1  }
0x44: {  	[tilespmem:$0x8290] =	vst v1  }
0x45: {  	[tilespmem:$0x82A0] =	vst v1  }
0x46: {  	[tilespmem:$0x82B0] =	vst v1  }
0x47: {  	[tilespmem:$0x82C0] =	vst v1  }
0x48: {  	[tilespmem:$0x82D0] =	vst v1  }
0x49: {  	[tilespmem:$0x82E0] =	vst v1  }
0x4a: {  	[tilespmem:$0x82F0] =	vst v1  }
0x4b: {  	[tilespmem:$0x8300] =	vst v1  }
0x4c: {  	[tilespmem:$0x8310] =	vst v1  }
0x4d: {  	[tilespmem:$0x8320] =	vst v1  }
0x4e: {  	[tilespmem:$0x8330] =	vst v1  }
0x4f: {  	[tilespmem:$0x8340] =	vst v1  }
0x50: {  	[tilespmem:$0x8350] =	vst v1  }
0x51: {  	[tilespmem:$0x8360] =	vst v1  }
0x52: {  	[tilespmem:$0x8370] =	vst v1  }
0x53: {  	[tilespmem:$0x8380] =	vst v1  }
0x54: {  	[tilespmem:$0x8390] =	vst v1  }
0x55: {  	[tilespmem:$0x83A0] =	vst v1  }
0x56: {  	[tilespmem:$0x83B0] =	vst v1  }
0x57: {  	[tilespmem:$0x83C0] =	vst v1  }
0x58: {  	[tilespmem:$0x83D0] =	vst v1  }
0x59: {  	[tilespmem:$0x83E0] =	vst v1  }
0x5a: {  	[tilespmem:$0x83F0] =	vst v1  }
0x5b: {  	[tilespmem:$0x8400] =	vst v1  }
0x5c: {  	[tilespmem:$0x8410] =	vst v1  }
0x5d: {  	[tilespmem:$0x8420] =	vst v1  }
0x5e: {  	[tilespmem:$0x8430] =	vst v1  }
0x5f: {  	[tilespmem:$0x8440] =	vst v1  }
0x60: {  	[tilespmem:$0x8450] =	vst v1  }
0x61: {  	[tilespmem:$0x8460] =	vst v1  }
0x62: {  	[tilespmem:$0x8470] =	vst v1  }
0x63: {  	[tilespmem:$0x8480] =	vst v1  }
0x64: {  	[tilespmem:$0x8490] =	vst v1  }
0x65: {  	[tilespmem:$0x84A0] =	vst v1  }
0x66: {  	[tilespmem:$0x84B0] =	vst v1  }
0x67: {  	[tilespmem:$0x84C0] =	vst v1  }
0x68: {  	[tilespmem:$0x84D0] =	vst v1  }
0x69: {  	[tilespmem:$0x84E0] =	vst v1  }
0x6a: {  	[tilespmem:$0x84F0] =	vst v1  }
0x6b: {  	[spmem:s21] =	stream.linear.scatter [tilespmem:s24], [sflag:$0xD], $0x278, $0x38;
	[tilespmem:$0x1C378] =	vst v63  }
0x6c: {  	_ =	swait.ge [sflag:s13], $0x278  }
0x6d: {  	[sflag:s13] =	ssyncset.done $0x0  }
0x6e: {  	[sflag:s13] =	ssyncadd.s32 $0xFFFFFD88  }
0x6f: {  	[bflag:$0x0] =	sbarrier.arrive $0xFFFF  }
0x70: {  	s12 =	rddreg [dreg:$0x8]  }
0x71: {  	[tilespmem:s5], [sflag:$0x1] =	stream.linear.gather [hbm4b:s12+s5], $0x40, $0x38;
	[tilespmem:$0x1C378] =	vst v63  }
0x72: {  	s13 =	rddreg [dreg:$0x9]  }
0x73: {  	[tilespmem:s23], [sflag:$0x3] =	stream.linear.gather [hbm4b:s13+s5], $0x40, $0x38;
	[tilespmem:$0x1C378] =	vst v63  }
0x74: {  	s21 =	simm.s32 $0x4200;
	s20 =	rddreg [dreg:$0xa]  }
0x75: {  	[tilespmem:s21], [sflag:$0x7] =	stream.linear.gather [hbm4b:s20+s5], $0x2000, $0x38;
	[tilespmem:$0x1C378] =	vst v63  }
0x76: {  	_ =	swait.ge [sflag:s25], $0x40  }
0x77: {  	[sflag:s25] =	ssyncset.done $0x0  }
0x78: {  	[sflag:s25] =	ssyncadd.s32 $0xFFFFFFC0  }
0x79: {  	s20 =	simm.s32 $0x0;
	s24 =	rddreg [dreg:$0x0]  }
0x7a: {  	[tilespmem:s28], [sflag:$0x5] =	stream.indirect.gather [hbm4b:s24+s26], $0x80, s5, s26, $0xb8;
	[tilespmem:$0x1C378] =	vst v63  }
.LBB2_2:
0x7b: {  	_ =	swait.ge [sflag:s29], $0x2000  }
0x7c: {  	[sflag:s29] =	ssyncset.done $0x0  }
0x7d: {  	[sflag:s29] =	ssyncadd.s32 $0xFFFFE000  }
0x7e: {  	_ =	swait.ge [sflag:s30], $0x2000  }
0x7f: {  	[sflag:s30] =	ssyncset.done $0x0  }
0x80: {  	s12 =	simm.s32 $0x0;
	[sflag:s30] =	ssyncadd.s32 $0xFFFFE000  }
0x81: {  	v8 =	vld [tilespmem:s12+$0x4200]  }
0x82: {  	v13 =	vld [tilespmem:s12+$0x4210]  }
0x83: {  	v7 =	vld [tilespmem:s12+$0x4220]  }
0x84: {  	v6 =	vld [tilespmem:s12+$0x4230]  }
0x85: {  	v5 =	vld [tilespmem:s12+$0x4240]  }
0x86: {  	v4 =	vld [tilespmem:s12+$0x4250]  }
0x87: {  	v3 =	vld [tilespmem:s12+$0x4260]  }
0x88: {  	v2 =	vld [tilespmem:s12+$0x4270]  }
0x89: {  	v14 =	vld [tilespmem:s12+$0x200]  }
0x8a: {  	v15 =	vld [tilespmem:s12+$0x210]  }
0x8b: {  	v12 =	vld [tilespmem:s12+$0x220]  }
0x8c: {  	v11 =	vld [tilespmem:s12+$0x230]  }
0x8d: {  	v10 =	vld [tilespmem:s12+$0x240]  }
0x8e: {  	v9 =	vld [tilespmem:s12+$0x250];
	v14 =	vadd.f32 v8, v14  }
0x8f: {  	s21 =	simm.s32 $0x200;
	v13 =	vadd.f32 v13, v15;
	v8 =	vld [tilespmem:s12+$0x260]  }
.LBB2_3:
0x90: {  	s24 =	sshra.s32 s21, $0x2;
	p0 =	sne.s32 s21, $0x7E00;
	v14 =	vmax.f32 v14, $0.0e+00;
	v7 =	vadd.f32 v7, v12;
	v12 =	vld [tilespmem:s12+$0x270]  }
0x91: {  	v15 =	vld [tilespmem:s24+$0x4200];
	[tilespmem:s12+$0x200] =	vst v14;
	v13 =	vmax.f32 v13, $0.0e+00;
	v6 =	vadd.f32 v6, v11  }
0x92: {  	v16 =	vld [tilespmem:s24+$0x4210];
	[tilespmem:s12+$0x210] =	vst v13;
	v11 =	vmax.f32 v7, $0.0e+00;
	v5 =	vadd.f32 v5, v10  }
0x93: {  	v7 =	vld [tilespmem:s24+$0x4220];
	[tilespmem:s12+$0x220] =	vst v11;
	v10 =	vmax.f32 v6, $0.0e+00;
	v4 =	vadd.f32 v4, v9  }
0x94: {  	v6 =	vld [tilespmem:s24+$0x4230];
	[tilespmem:s12+$0x230] =	vst v10;
	v9 =	vmax.f32 v5, $0.0e+00;
	v3 =	vadd.f32 v3, v8  }
0x95: {  	v5 =	vld [tilespmem:s24+$0x4240];
	[tilespmem:s12+$0x240] =	vst v9;
	v8 =	vmax.f32 v4, $0.0e+00;
	v2 =	vadd.f32 v2, v12  }
0x96: {  	v4 =	vld [tilespmem:s24+$0x4250];
	[tilespmem:s12+$0x250] =	vst v8;
	v8 =	vmax.f32 v3, $0.0e+00  }
0x97: {  	v3 =	vld [tilespmem:s24+$0x4260];
	[tilespmem:s12+$0x260] =	vst v8;
	v8 =	vmax.f32 v2, $0.0e+00  }
0x98: {  	v2 =	vld [tilespmem:s24+$0x4270];
	[tilespmem:s12+$0x270] =	vst v8;
	s12 =	smov.u32 s24  }
0x99: {  	v8 =	vld [tilespmem:s12+$0x200]  }
0x9a: {  	v13 =	vld [tilespmem:s12+$0x210]  }
.Ltmp2:
0x9b: {  	v12 =	vld [tilespmem:s12+$0x220];
	(pc) =	sbr.rel @p0 .LBB2_3-.Ltmp2, $4  }
0x9c: {  	v11 =	vld [tilespmem:s12+$0x230]  }
0x9d: {  	v10 =	vld [tilespmem:s12+$0x240]  }
0x9e: {  	v14 =	vadd.f32 v15, v8;
	v9 =	vld [tilespmem:s12+$0x250]  }
0x9f: {  	s21 =	sadd.s32 $0x200, s21;
	v13 =	vadd.f32 v16, v13;
	v8 =	vld [tilespmem:s12+$0x260]  }
0xa0: {  	v14 =	vmax.f32 v14, $0.0e+00;
	v7 =	vadd.f32 v7, v12;
	v12 =	vld [tilespmem:s12+$0x270]  }
0xa1: {  	[tilespmem:s12+$0x200] =	vst v14;
	v13 =	vmax.f32 v13, $0.0e+00;
	v6 =	vadd.f32 v6, v11  }
0xa2: {  	[tilespmem:s12+$0x210] =	vst v13;
	v7 =	vmax.f32 v7, $0.0e+00;
	v5 =	vadd.f32 v5, v10  }
0xa3: {  	[tilespmem:s12+$0x220] =	vst v7;
	v6 =	vmax.f32 v6, $0.0e+00;
	v4 =	vadd.f32 v4, v9  }
0xa4: {  	[tilespmem:s12+$0x230] =	vst v6;
	v5 =	vmax.f32 v5, $0.0e+00;
	v3 =	vadd.f32 v3, v8  }
0xa5: {  	[tilespmem:s12+$0x240] =	vst v5;
	v4 =	vmax.f32 v4, $0.0e+00;
	v2 =	vadd.f32 v2, v12  }
0xa6: {  	[tilespmem:s12+$0x250] =	vst v4;
	v3 =	vmax.f32 v3, $0.0e+00  }
0xa7: {  	[tilespmem:s12+$0x260] =	vst v3;
	v2 =	vmax.f32 v2, $0.0e+00  }
0xa8: {  	[tilespmem:s12+$0x270] =	vst v2  }
0xa9: {  	_ =	swait.ge [sflag:s31], $0x40  }
0xaa: {  	[sflag:s31] =	ssyncset.done $0x0  }
0xab: {  	p0 =	seq.s32 s20, $0x0;
	[sflag:s31] =	ssyncadd.s32 $0xFFFFFFC0  }
0xac: {  	[spmem:s3] =	stream.indirect.scatter.add.f32 [tilespmem:s28], [sflag:$0x9], $0x80, s23, s26, $0xb8;
	[tilespmem:$0x1C378] =	vst v63  }
0xad: {  	s21 =	simm.s32 @!p0 $0xA  }
0xae: {  	[spmem:s4] =	stream.indirect.scatter.add.f32 [tilespmem:s2], [sflag:$0xB], $0x1, s23, s26, $0xb8;
	[tilespmem:$0x1C378] =	vst v63  }
0xaf: {  	_ =	swait.ge @!p0 [sflag:s21], $0x2000  }
0xb0: {  	s12 =	sshll.u32 s20, $0x7;
	[sflag:s21] =	ssyncset.done @!p0 $0x0  }
0xb1: {  	s24 =	sadd.s32 s12, s9;
	[sflag:s21] =	ssyncadd.s32 @!p0 $0xFFFFE000;
	s21 =	simm.s32 @!p0 $0xC  }
0xb2: {  	s24 =	sadd.s32 $0x40, s24;
	_ =	swait.ge @!p0 [sflag:s21], $0x40  }
0xb3: {  	s13 =	sshrl.u32 s24, $0x3;
	[sflag:s21] =	ssyncset.done @!p0 $0x0  }
0xb4: {  	s1 =	simm.s32 $0x0;
	[sflag:s21] =	ssyncadd.s32 @!p0 $0xFFFFFFC0;
	s21 =	sadd.s32 s7, s13  }
0xb5: {  	[tilespmem:s0], [sflag:$0x2] =	stream.linear.gather [hbm4b:s21+s1], $0x40, $0x38;
	[tilespmem:$0x1C378] =	vst v63  }
0xb6: {  	s13 =	sadd.s32 s8, s13;
	s21 =	sshll.u32 s24, $0x4  }
0xb7: {  	[tilespmem:s10], [sflag:$0x4] =	stream.linear.gather [hbm4b:s13+s1], $0x40, $0x38;
	[tilespmem:$0x1C378] =	vst v63  }
0xb8: {  	s24 =	simm.s32 $0x6200;
	s13 =	sadd.s32 s6, s21  }
0xb9: {  	[tilespmem:s24], [sflag:$0x8] =	stream.linear.gather [hbm4b:s13+s1], $0x2000, $0x38;
	[tilespmem:$0x1C378] =	vst v63  }
0xba: {  	_ =	swait.ge [sflag:s14], $0x40  }
0xbb: {  	[sflag:s14] =	ssyncset.done $0x0  }
0xbc: {  	[sflag:s14] =	ssyncadd.s32 $0xFFFFFFC0  }
0xbd: {  	s24 =	rddreg [dreg:$0x0]  }
0xbe: {  	[tilespmem:s15], [sflag:$0x6] =	stream.indirect.gather [hbm4b:s24+s26], $0x80, s0, s26, $0xb8;
	[tilespmem:$0x1C378] =	vst v63  }
0xbf: {  	_ =	swait.ge [sflag:s17], $0x2000  }
0xc0: {  	[sflag:s17] =	ssyncset.done $0x0  }
0xc1: {  	[sflag:s17] =	ssyncadd.s32 $0xFFFFE000  }
0xc2: {  	_ =	swait.ge [sflag:s18], $0x2000  }
0xc3: {  	[sflag:s18] =	ssyncset.done $0x0  }
0xc4: {  	s21 =	simm.s32 $0x0;
	[sflag:s18] =	ssyncadd.s32 $0xFFFFE000  }
0xc5: {  	v8 =	vld [tilespmem:s21+$0x6200]  }
0xc6: {  	v13 =	vld [tilespmem:s21+$0x6210]  }
0xc7: {  	v7 =	vld [tilespmem:s21+$0x6220]  }
0xc8: {  	v6 =	vld [tilespmem:s21+$0x6230]  }
0xc9: {  	v5 =	vld [tilespmem:s21+$0x6240]  }
0xca: {  	v4 =	vld [tilespmem:s21+$0x6250]  }
0xcb: {  	v3 =	vld [tilespmem:s21+$0x6260]  }
0xcc: {  	v2 =	vld [tilespmem:s21+$0x6270]  }
0xcd: {  	v14 =	vld [tilespmem:s21+$0x2200]  }
0xce: {  	v15 =	vld [tilespmem:s21+$0x2210]  }
0xcf: {  	v12 =	vld [tilespmem:s21+$0x2220]  }
0xd0: {  	v11 =	vld [tilespmem:s21+$0x2230]  }
0xd1: {  	v10 =	vld [tilespmem:s21+$0x2240]  }
0xd2: {  	v9 =	vld [tilespmem:s21+$0x2250];
	v14 =	vadd.f32 v8, v14  }
0xd3: {  	s24 =	simm.s32 $0x200;
	v13 =	vadd.f32 v13, v15;
	v8 =	vld [tilespmem:s21+$0x2260]  }
.LBB2_5:
0xd4: {  	s1 =	sshra.s32 s24, $0x2;
	p0 =	sne.s32 s24, $0x7E00;
	v14 =	vmax.f32 v14, $0.0e+00;
	v7 =	vadd.f32 v7, v12;
	v12 =	vld [tilespmem:s21+$0x2270]  }
0xd5: {  	v15 =	vld [tilespmem:s1+$0x6200];
	[tilespmem:s21+$0x2200] =	vst v14;
	v13 =	vmax.f32 v13, $0.0e+00;
	v6 =	vadd.f32 v6, v11  }
0xd6: {  	v16 =	vld [tilespmem:s1+$0x6210];
	[tilespmem:s21+$0x2210] =	vst v13;
	v11 =	vmax.f32 v7, $0.0e+00;
	v5 =	vadd.f32 v5, v10  }
0xd7: {  	v7 =	vld [tilespmem:s1+$0x6220];
	[tilespmem:s21+$0x2220] =	vst v11;
	v10 =	vmax.f32 v6, $0.0e+00;
	v4 =	vadd.f32 v4, v9  }
0xd8: {  	v6 =	vld [tilespmem:s1+$0x6230];
	[tilespmem:s21+$0x2230] =	vst v10;
	v9 =	vmax.f32 v5, $0.0e+00;
	v3 =	vadd.f32 v3, v8  }
0xd9: {  	v5 =	vld [tilespmem:s1+$0x6240];
	[tilespmem:s21+$0x2240] =	vst v9;
	v8 =	vmax.f32 v4, $0.0e+00;
	v2 =	vadd.f32 v2, v12  }
0xda: {  	v4 =	vld [tilespmem:s1+$0x6250];
	[tilespmem:s21+$0x2250] =	vst v8;
	v8 =	vmax.f32 v3, $0.0e+00  }
0xdb: {  	v3 =	vld [tilespmem:s1+$0x6260];
	[tilespmem:s21+$0x2260] =	vst v8;
	v8 =	vmax.f32 v2, $0.0e+00  }
0xdc: {  	v2 =	vld [tilespmem:s1+$0x6270];
	[tilespmem:s21+$0x2270] =	vst v8;
	s21 =	smov.u32 s1  }
0xdd: {  	v8 =	vld [tilespmem:s21+$0x2200]  }
0xde: {  	v13 =	vld [tilespmem:s21+$0x2210]  }
.Ltmp3:
0xdf: {  	v12 =	vld [tilespmem:s21+$0x2220];
	(pc) =	sbr.rel @p0 .LBB2_5-.Ltmp3, $4  }
0xe0: {  	v11 =	vld [tilespmem:s21+$0x2230]  }
0xe1: {  	v10 =	vld [tilespmem:s21+$0x2240]  }
0xe2: {  	v14 =	vadd.f32 v15, v8;
	v9 =	vld [tilespmem:s21+$0x2250]  }
0xe3: {  	s24 =	sadd.s32 $0x200, s24;
	v13 =	vadd.f32 v16, v13;
	v8 =	vld [tilespmem:s21+$0x2260]  }
0xe4: {  	v14 =	vmax.f32 v14, $0.0e+00;
	v7 =	vadd.f32 v7, v12;
	v63 =	vld [tilespmem:s21+$0x2270]  }
0xe5: {  	[tilespmem:s21+$0x2200] =	vst v14;
	v13 =	vmax.f32 v13, $0.0e+00;
	v6 =	vadd.f32 v6, v11  }
0xe6: {  	[tilespmem:s21+$0x2210] =	vst v13;
	v7 =	vmax.f32 v7, $0.0e+00;
	v5 =	vadd.f32 v5, v10  }
0xe7: {  	[tilespmem:s21+$0x2220] =	vst v7;
	v6 =	vmax.f32 v6, $0.0e+00;
	v4 =	vadd.f32 v4, v9  }
0xe8: {  	[tilespmem:s21+$0x2230] =	vst v6;
	v5 =	vmax.f32 v5, $0.0e+00;
	v3 =	vadd.f32 v3, v8  }
0xe9: {  	[tilespmem:s21+$0x2240] =	vst v5;
	v4 =	vmax.f32 v4, $0.0e+00;
	v2 =	vadd.f32 v2, v63  }
0xea: {  	[tilespmem:s21+$0x2250] =	vst v4;
	v3 =	vmax.f32 v3, $0.0e+00  }
0xeb: {  	[tilespmem:s21+$0x2260] =	vst v3;
	v2 =	vmax.f32 v2, $0.0e+00  }
0xec: {  	[tilespmem:s21+$0x2270] =	vst v2  }
0xed: {  	_ =	swait.ge [sflag:s19], $0x40  }
0xee: {  	[sflag:s19] =	ssyncset.done $0x0  }
0xef: {  	[sflag:s19] =	ssyncadd.s32 $0xFFFFFFC0  }
0xf0: {  	[spmem:s3] =	stream.indirect.scatter.add.f32 [tilespmem:s15], [sflag:$0xA], $0x80, s10, s26, $0xb8;
	[tilespmem:$0x1C378] =	vst v63  }
0xf1: {  	_ = 	snop  }
0xf2: {  	[spmem:s4] =	stream.indirect.scatter.add.f32 [tilespmem:s2], [sflag:$0xC], $0x1, s10, s26, $0xb8;
	[tilespmem:$0x1C378] =	vst v63  }
0xf3: {  	p0 =	seq.s32 s20, $0x4E;
	_ =	swait.ge [sflag:s22], $0x2000  }
.Ltmp4:
0xf4: {  	[sflag:s22] =	ssyncset.done $0x0;
	(pc) =	sbr.rel @p0 .LBB2_8-.Ltmp4, $4  }
0xf5: {  	[sflag:s22] =	ssyncadd.s32 $0xFFFFE000  }
0xf6: {  	_ =	swait.ge [sflag:s11], $0x40  }
0xf7: {  	[sflag:s11] =	ssyncset.done $0x0  }
0xf8: {  	[sflag:s11] =	ssyncadd.s32 $0xFFFFFFC0  }
0xf9: {  	s1 =	sadd.s32 s12, s16  }
0xfa: {  	s12 =	sshrl.u32 s1, $0x3  }
0xfb: {  	s13 =	sadd.s32 s7, s12  }
0xfc: {  	[tilespmem:s5], [sflag:$0x1] =	stream.linear.gather [hbm4b:s13+s5], $0x40, $0x38;
	[tilespmem:$0x1C378] =	vst v63  }
0xfd: {  	s1 =	sshll.u32 s1, $0x4;
	s12 =	sadd.s32 s8, s12  }
0xfe: {  	[tilespmem:s23], [sflag:$0x3] =	stream.linear.gather [hbm4b:s12+s5], $0x40, $0x38;
	[tilespmem:$0x1C378] =	vst v63  }
0xff: {  	s21 =	simm.s32 $0x4200;
	s1 =	sadd.s32 s6, s1  }
0x100: {  	[tilespmem:s21], [sflag:$0x7] =	stream.linear.gather [hbm4b:s1+s5], $0x2000, $0x38;
	[tilespmem:$0x1C378] =	vst v63  }
.Ltmp5:
0x101: {  	_ =	swait.ge [sflag:s25], $0x40;
	(pc) =	sbr.rel .LBB2_2-.Ltmp5, $4  }
0x102: {  	[sflag:s25] =	ssyncset.done $0x0  }
0x103: {  	[sflag:s25] =	ssyncadd.s32 $0xFFFFFFC0  }
0x104: {  	s20 =	sadd.s32 $0x1, s20;
	s24 =	rddreg [dreg:$0x0]  }
0x105: {  	[tilespmem:s28], [sflag:$0x5] =	stream.indirect.gather [hbm4b:s24+s26], $0x80, s5, s26, $0xb8;
	[tilespmem:$0x1C378] =	vst v63  }
.LBB2_9:
0x106: {  	_ =	sfence.sel $0x180000  }
0x107: {  	[bflag:$0x0] =	sbarrier.arrive $0xFFFF  }
0x108: {  	_ =	strace $0x90000047  }
0x109: {  	s0 =	stileid.u32;
	[bflag:$0x2] =	sbarrier.arrive $0xFFFF  }
0x10a: {  	p0 =	sne.s32 s0, $0x0;
	s0 =	rddreg [dreg:$0x4]  }
0x10b: {  	s0 =	sadd.s32 @!p0 $0x100000, s0  }
0x10c: {  	[sflag:s0] =	ssyncadd.tile.s32 @!p0 $0x1;
	_ =	shalt  }
.Lfunc_end2:
_tile_overlayer_lowered:
.L_overlay_start_2:
0x10d: {  	(tag) =	ssettag $0x2  }
0x10e: {  	s0 =	rddreg [dreg:$0x0];
	s2 =	stileid.u32  }
0x10f: {  	s1 =	rddreg [dreg:$0x1];
	p0 =	sne.s32 s2, $0x0  }
0x110: {  	s3 =	rddreg [dreg:$0x2];
	[bflag:$0x3] =	sbarrier.arrive $0xFFFF;
	s2 =	simm.s32 @!p0 $0x1C0D  }
0x111: {  	[timem:s3], [sflag:s2] =	dma.local @!p0 [hbm:s0], s1  }
0x112: {  	s0 =	simm.s32 @!p0 $0xD  }
0x113: {  	_ =	swait.ge @!p0 [sflag:s0], s1  }
0x114: {  	s1 =	ssub.s32 @!p0 $0x0, s1;
	[sflag:s0] =	ssyncset.done @!p0 $0x0  }
0x115: {  	[sflag:s0] =	ssyncadd.s32 @!p0 s1  }
0x116: {  	[bflag:$0x3] =	sbarrier.arrive $0xFFFF  }
0x117: {  	_ =	shalt  }

</sc_bundles>
